<compile_context>
chip_gen: v7x
topology: tpu7x:2x2x1
jax: 0.10.2.dev20260603
libtpu: 0.0.44.dev20260713+nightly
codegen_flags: <defaults>
</compile_context>

<pallas_src>
import jax
import jax.numpy as jnp
from jax import lax
from jax.experimental import pallas as pl
from jax.experimental.pallas import tpu as pltpu
from jax.experimental.pallas import tpu_sc as plsc

N_NODES = 10000
N_EDGES = 160000
D = 256
DH = 128
NC, NS, L = 2, 16, 16
NW = NC * NS

_SC_MESH = dict(core_axis_name="c", subcore_axis_name="s",
                num_cores=NC, num_subcores=NS)

E_PER_W = N_EDGES // NW
FULL_VECS = E_PER_W // L
TAIL = E_PER_W - FULL_VECS * L


def _deg_body(eif_hbm, degp_hbm, idx_v, deg_v):
    c = lax.axis_index("c")
    s = lax.axis_index("s")
    w = s * NC + c
    base = w * E_PER_W

    zero = jnp.zeros((L,), jnp.float32)

    def z(i, carry):
        deg_v[pl.ds(i * L, L)] = zero
        return carry

    lax.fori_loop(0, N_NODES // L, z, None)

    pltpu.sync_copy(eif_hbm.at[pl.ds(base, E_PER_W)], idx_v)

    ones = jnp.ones((L,), jnp.float32)

    def acc(i, carry):
        idx = idx_v[pl.ds(i * L, L)]
        plsc.addupdate_scatter(deg_v, [idx], ones)
        return carry

    lax.fori_loop(0, FULL_VECS, acc, None)
    idx = idx_v[pl.ds(E_PER_W - L, L)]
    mask = lax.iota(jnp.int32, L) >= (L - TAIL)
    plsc.addupdate_scatter(deg_v, [idx], ones, mask=mask)

    pltpu.sync_copy(deg_v, degp_hbm.at[pl.ds(w * N_NODES, N_NODES)])


_deg_kernel = pl.kernel(
    _deg_body,
    out_type=jax.ShapeDtypeStruct((NW * N_NODES,), jnp.float32),
    mesh=plsc.VectorSubcoreMesh(**_SC_MESH),
    scratch_types=[
        pltpu.VMEM((E_PER_W,), jnp.int32),
        pltpu.VMEM((N_NODES,), jnp.float32),
    ],
    compiler_params=pltpu.CompilerParams(needs_layout_passes=False),
)

R = 1000


def _mm_body(x_ref, w_ref, b_ref, degp_ref, g_ref):
    h = lax.dot_general(x_ref[...], w_ref[...], (((1,), (1,)), ((), ())),
                        preferred_element_type=jnp.float32)
    h = h + b_ref[...]
    dis = lax.rsqrt(jnp.sum(degp_ref[...], axis=1) + 1.0)
    g = h * dis[:, None]
    g_ref[0] = g[:, :DH]
    g_ref[1] = g[:, DH:]


def _mm_call(x, W, b2, degp):
    return pl.pallas_call(
        _mm_body,
        grid=(N_NODES // R,),
        in_specs=[
            pl.BlockSpec((R, D), lambda i: (i, 0)),
            pl.BlockSpec((D, D), lambda i: (0, 0)),
            pl.BlockSpec((1, D), lambda i: (0, 0)),
            pl.BlockSpec((R, NW), lambda i: (i, 0)),
        ],
        out_specs=pl.BlockSpec((NC, R, DH), lambda i: (0, i, 0)),
        out_shape=jax.ShapeDtypeStruct((NC, N_NODES, DH), jnp.float32),
    )(x, W, b2, degp)

CH = 80
E_PER_T = N_EDGES // NS
NF = E_PER_T // CH
NB = 3
NPT = 632
NPT_LAST = N_NODES - (NS - 1) * NPT


def _edge_body(g_hbm, eif_hbm, acc_hbm,
               row_v, col_v, gbuf, acc_sh, gs, ss, isem):
    c = lax.axis_index("c")
    s = lax.axis_index("s")

    @pl.when(s < NS - 1)
    def _():
        pltpu.async_copy(g_hbm.at[pl.ds(c * N_NODES + s * NPT, NPT)],
                         acc_sh.at[pl.ds(s * NPT, NPT)], isem.at[0])

    @pl.when(s == NS - 1)
    def _():
        pltpu.async_copy(g_hbm.at[pl.ds(c * N_NODES + s * NPT, NPT_LAST)],
                         acc_sh.at[pl.ds(s * NPT, NPT_LAST)], isem.at[0])

    pltpu.sync_copy(eif_hbm.at[pl.ds(s * E_PER_T, E_PER_T)], row_v)
    pltpu.sync_copy(eif_hbm.at[pl.ds(N_EDGES + s * E_PER_T, E_PER_T)], col_v)

    off = jnp.full((L,), 1, jnp.int32) * (c * N_NODES)

    def addoff(i, carry):
        row_v[pl.ds(i * L, L)] = row_v[pl.ds(i * L, L)] + off
        return carry

    lax.fori_loop(0, E_PER_T // L, addoff, None)

    @pl.when(s < NS - 1)
    def _():
        pltpu.make_async_copy(g_hbm.at[pl.ds(c * N_NODES + s * NPT, NPT)],
                              acc_sh.at[pl.ds(s * NPT, NPT)], isem.at[0]).wait()

    @pl.when(s == NS - 1)
    def _():
        pltpu.make_async_copy(g_hbm.at[pl.ds(c * N_NODES + s * NPT, NPT_LAST)],
                              acc_sh.at[pl.ds(s * NPT, NPT_LAST)],
                              isem.at[0]).wait()

    plsc.subcore_barrier()

    pltpu.async_copy(g_hbm.at[row_v.at[pl.ds(0, CH)]], gbuf.at[0], gs.at[0])

    def chunk(k, carry):
        b = lax.rem(k, NB)
        bn = lax.rem(k + 1, NB)

        @pl.when(k >= NB - 1)
        def _():
            pltpu.make_async_copy(
                gbuf.at[bn],
                acc_sh.at[col_v.at[pl.ds((k - NB + 1) * CH, CH)]],
                ss.at[bn]).wait()

        @pl.when(k + 1 < NF)
        def _():
            pltpu.async_copy(g_hbm.at[row_v.at[pl.ds((k + 1) * CH, CH)]],
                             gbuf.at[bn], gs.at[bn])

        pltpu.make_async_copy(g_hbm.at[row_v.at[pl.ds(k * CH, CH)]],
                              gbuf.at[b], gs.at[b]).wait()
        pltpu.async_copy(gbuf.at[b], acc_sh.at[col_v.at[pl.ds(k * CH, CH)]],
                         ss.at[b], add=True)
        return carry

    lax.fori_loop(0, NF, chunk, None)
    for kk in range(NF - NB + 1, NF):
        pltpu.make_async_copy(gbuf.at[kk % NB],
                              acc_sh.at[col_v.at[pl.ds(kk * CH, CH)]],
                              ss.at[kk % NB]).wait()
    plsc.subcore_barrier()

    @pl.when(s < NS - 1)
    def _():
        pltpu.sync_copy(acc_sh.at[pl.ds(s * NPT, NPT)],
                        acc_hbm.at[pl.ds(c * N_NODES + s * NPT, NPT)])

    @pl.when(s == NS - 1)
    def _():
        pltpu.sync_copy(acc_sh.at[pl.ds(s * NPT, NPT_LAST)],
                        acc_hbm.at[pl.ds(c * N_NODES + s * NPT, NPT_LAST)])


_edge_kernel = pl.kernel(
    _edge_body,
    out_type=jax.ShapeDtypeStruct((NC * N_NODES, DH), jnp.float32),
    mesh=plsc.VectorSubcoreMesh(**_SC_MESH),
    scratch_types=[
        pltpu.VMEM((E_PER_T,), jnp.int32),
        pltpu.VMEM((E_PER_T,), jnp.int32),
        pltpu.VMEM((NB, CH, DH), jnp.float32),
        pltpu.VMEM_SHARED((N_NODES, DH), jnp.float32),
        pltpu.SemaphoreType.DMA((NB,)),
        pltpu.SemaphoreType.DMA((NB,)),
        pltpu.SemaphoreType.DMA((1,)),
    ],
    compiler_params=pltpu.CompilerParams(needs_layout_passes=False),
)



def _fin_body(a0_ref, a1_ref, degp_ref, o_ref):
    dis = lax.rsqrt(jnp.sum(degp_ref[...], axis=1) + 1.0)
    acc = jnp.concatenate([a0_ref[...], a1_ref[...]], axis=1)
    o_ref[...] = jnp.maximum(acc * dis[:, None], 0.0)


def _fin_call(acc, degp):
    return pl.pallas_call(
        _fin_body,
        grid=(N_NODES // R,),
        in_specs=[
            pl.BlockSpec((R, DH), lambda i: (i, 0)),
            pl.BlockSpec((R, DH), lambda i: (i + N_NODES // R, 0)),
            pl.BlockSpec((R, NW), lambda i: (i, 0)),
        ],
        out_specs=pl.BlockSpec((R, D), lambda i: (i, 0)),
        out_shape=jax.ShapeDtypeStruct((N_NODES, D), jnp.float32),
    )(acc, acc, degp)


def kernel(x, edge_index, W, b):
    eif = edge_index.astype(jnp.int32).reshape(2 * N_EDGES)
    degp = _deg_kernel(eif).reshape(NW, N_NODES).T
    g = _mm_call(x, W, b.reshape(1, D), degp)
    g_flat = g.reshape(NC * N_NODES, DH)
    acc = _edge_kernel(g_flat, eif)
    return _fin_call(acc, degp)

# --- scband reference (transcript-rebuilt; emitter-appended) ---
"""Pipeline reference for scband-gcnlayer-90933047591262 (READ-ONLY COPY).

The authoritative reference and input builder live on the scoring server;
editing this copy changes nothing except your own understanding.
"""

import jax, jax.numpy as jnp
import numpy as np

N_NODES = 10000
IN_DIM = 256
OUT_DIM = 256
N_EDGES = 160000


def setup_inputs(seed: int = 0) -> dict:
    key = jax.random.key(seed)
    k1, k2, k3, k4 = jax.random.split(key, 4)
    x = jax.random.normal(k1, (N_NODES, IN_DIM), dtype=jnp.float32)
    edge_index = jax.random.randint(k2, (2, N_EDGES), 0, N_NODES, dtype=jnp.int32)
    # nn.Linear(in_dim, out_dim): weight [out_dim, in_dim], bias [out_dim]
    bound = 1.0 / np.sqrt(IN_DIM)
    W = jax.random.uniform(k3, (OUT_DIM, IN_DIM), dtype=jnp.float32, minval=-bound, maxval=bound)
    b = jax.random.uniform(k4, (OUT_DIM,), dtype=jnp.float32, minval=-bound, maxval=bound)
    return {"x": x, "edge_index": edge_index, "W": W, "b": b}


def reference(x, edge_index, W, b):
    num_nodes = x.shape[0]
    ar = jnp.arange(num_nodes, dtype=edge_index.dtype)
    identity = jnp.stack([ar, ar], axis=0)
    edge_index_with_self = jnp.concatenate([edge_index, identity], axis=1)
    row = edge_index_with_self[0]
    col = edge_index_with_self[1]
    deg = jnp.bincount(row, length=num_nodes).astype(jnp.float32)
    deg_inv_sqrt = jnp.power(deg, -0.5)
    norm = deg_inv_sqrt[row] * deg_inv_sqrt[col]
    h = x @ W.T + b
    msg = norm[:, None] * h[row]
    out = jnp.zeros_like(h).at[col].add(msg)
    return jax.nn.relu(out)

if __name__ == "__main__":
    import jax
    _d = setup_inputs()
    print(jax.jit(kernel)(*tuple(_d.values())))

</pallas_src>

<mosaic_0001>
#map = affine_map<(d0, d1) -> (0)>
module attributes {stable_mosaic.version = 14 : i64} {
  func.func @_deg_body(%arg0: i32, %arg1: i32, %arg2: memref<320000xi32, #tpu.memory_space<hbm>>, %arg3: memref<320000xf32, #tpu.memory_space<hbm>>, %arg4: memref<5000xi32, #tpu.memory_space<vmem>>, %arg5: memref<10000xf32, #tpu.memory_space<vmem>>) attributes {dimension_semantics = [#tpu.dimension_semantics<core_parallel>, #tpu.dimension_semantics<subcore_parallel>], iteration_bounds = array<i64: 2, 16>, scalar_prefetch = 0 : i64, scratch_operands = 2 : i64, tpu.core_type = #tpu.core_type<sc_vector_subcore>, window_params = [{transform_indices = #map}, {transform_indices = #map}]} {
    %mul3A = arith.constant 2 : i32
    %mul3A_0 = arith.muli %arg1, %mul3A : i32
    %add3A = arith.addi %mul3A_0, %arg0 : i32
    %mul3A_1 = arith.constant 5000 : i32
    %mul3A_2 = arith.muli %add3A, %mul3A_1 : i32
    %broadcast_in_dim3A = arith.constant 0.000000e+00 : f32
    %broadcast_in_dim3A_3 = vector.broadcast %broadcast_in_dim3A : f32 to vector<16xf32>
    %scan3A = arith.constant 0 : i32
    %scan3A_4 = arith.constant 625 : i32
    %scan3A_5 = arith.addi %scan3A, %scan3A_4 : i32
    %scan3A_6 = arith.constant 1 : i32
    scf.for %scan3A_20 = %scan3A to %scan3A_5 step %scan3A_6  : i32 {
      %mul3A_21 = arith.constant 16 : i32
      %mul3A_22 = arith.muli %scan3A_20, %mul3A_21 : i32
      %swap3A = arith.index_cast %mul3A_22 : i32 to index
      %swap3A_23 = tpu.vector_load %arg5[%swap3A] {strides = array<i32>} : memref<10000xf32, #tpu.memory_space<vmem>>, vector<16xf32>,
      tpu.vector_store %arg5[%swap3A], %broadcast_in_dim3A_3 {strides = array<i32>} : memref<10000xf32, #tpu.memory_space<vmem>>, vector<16xf32>,
    }
    %scan3A_7 = arith.constant 625 : i32
    "tpu.region"() ({
      %run_scoped3A = tpu.sem_alloc : memref<!tpu.dma_semaphore, #tpu.memory_space<semaphore_mem>>
      %dma_start3A = tpu.memref_slice %arg2[%mul3A_2] : memref<320000xi32, #tpu.memory_space<hbm>> -> memref<5000xi32, #tpu.memory_space<hbm>>
      %dma_start3A_20 = tpu.memref_slice %arg2[%mul3A_2] : memref<320000xi32, #tpu.memory_space<hbm>> -> memref<5000xi32, #tpu.memory_space<hbm>>
      tpu.enqueue_dma source(%dma_start3A_20 : memref<5000xi32, #tpu.memory_space<hbm>>) target(%arg4 : memref<5000xi32, #tpu.memory_space<vmem>>) target_semaphore(%run_scoped3A : memref<!tpu.dma_semaphore, #tpu.memory_space<semaphore_mem>>)
      %dma_wait3A = tpu.memref_slice %arg2[%mul3A_2] : memref<320000xi32, #tpu.memory_space<hbm>> -> memref<5000xi32, #tpu.memory_space<hbm>>
      %dma_wait3A_21 = tpu.memref_slice %arg2[%mul3A_2] : memref<320000xi32, #tpu.memory_space<hbm>> -> memref<5000xi32, #tpu.memory_space<hbm>>
      tpu.wait_dma2 semaphore(%run_scoped3A : memref<!tpu.dma_semaphore, #tpu.memory_space<semaphore_mem>>) src(%dma_wait3A_21 : memref<5000xi32, #tpu.memory_space<hbm>>) dst(%arg4 : memref<5000xi32, #tpu.memory_space<vmem>>)
      tpu.yield
    }) : () -> ()
    %broadcast_in_dim3A_8 = arith.constant 1.000000e+00 : f32
    %broadcast_in_dim3A_9 = vector.broadcast %broadcast_in_dim3A_8 : f32 to vector<16xf32>
    %scan3A_10 = arith.constant 0 : i32
    %scan3A_11 = arith.constant 312 : i32
    %scan3A_12 = arith.addi %scan3A_10, %scan3A_11 : i32
    %scan3A_13 = arith.constant 1 : i32
    scf.for %scan3A_20 = %scan3A_10 to %scan3A_12 step %scan3A_13  : i32 {
      %mul3A_21 = arith.constant 16 : i32
      %mul3A_22 = arith.muli %scan3A_20, %mul3A_21 : i32
      %get3A_23 = arith.index_cast %mul3A_22 : i32 to index
      %get3A_24 = tpu.vector_load %arg4[%get3A_23] {strides = array<i32>} : memref<5000xi32, #tpu.memory_space<vmem>>, vector<16xi32>,
      tpu.vector_store_idx %arg5[%get3A_24], %broadcast_in_dim3A_9 {add = true} : memref<10000xf32, #tpu.memory_space<vmem>>[vector<16xi32>], vector<16xf32>,
    }
    %scan3A_14 = arith.constant 312 : i32
    %get3A = arith.constant 4984 : index
    %get3A_15 = tpu.vector_load %arg4[%get3A] {strides = array<i32>} : memref<5000xi32, #tpu.memory_space<vmem>>, vector<16xi32>,
    %iota3A = tpu.iota {dimensions = array<i32: 0>} : vector<16xi32>
    %ge3A = arith.constant 8 : i32
    %ge3A_16 = vector.broadcast %ge3A : i32 to vector<16xi32>
    %ge3A_17 = arith.cmpi sge, %iota3A, %ge3A_16 : vector<16xi32>
    tpu.vector_store_idx %arg5[%get3A_15], %broadcast_in_dim3A_9 masked %ge3A_17 {add = true} : memref<10000xf32, #tpu.memory_space<vmem>>[vector<16xi32>], vector<16xf32>, vector<16xi1>
    %mul3A_18 = arith.constant 10000 : i32
    %mul3A_19 = arith.muli %add3A, %mul3A_18 : i32
    "tpu.region"() ({
      %run_scoped3A = tpu.sem_alloc : memref<!tpu.dma_semaphore, #tpu.memory_space<semaphore_mem>>
      %dma_start3A = tpu.memref_slice %arg3[%mul3A_19] : memref<320000xf32, #tpu.memory_space<hbm>> -> memref<10000xf32, #tpu.memory_space<hbm>>
      %dma_start3A_20 = tpu.memref_slice %arg3[%mul3A_19] : memref<320000xf32, #tpu.memory_space<hbm>> -> memref<10000xf32, #tpu.memory_space<hbm>>
      tpu.enqueue_dma source(%arg5 : memref<10000xf32, #tpu.memory_space<vmem>>) target(%dma_start3A_20 : memref<10000xf32, #tpu.memory_space<hbm>>) target_semaphore(%run_scoped3A : memref<!tpu.dma_semaphore, #tpu.memory_space<semaphore_mem>>)
      %dma_wait3A = tpu.memref_slice %arg3[%mul3A_19] : memref<320000xf32, #tpu.memory_space<hbm>> -> memref<10000xf32, #tpu.memory_space<hbm>>
      %dma_wait3A_21 = tpu.memref_slice %arg3[%mul3A_19] : memref<320000xf32, #tpu.memory_space<hbm>> -> memref<10000xf32, #tpu.memory_space<hbm>>
      tpu.wait_dma2 semaphore(%run_scoped3A : memref<!tpu.dma_semaphore, #tpu.memory_space<semaphore_mem>>) src(%arg5 : memref<10000xf32, #tpu.memory_space<vmem>>) dst(%dma_wait3A_21 : memref<10000xf32, #tpu.memory_space<hbm>>)
      tpu.yield
    }) : () -> ()
    return
  }
}

#map = affine_map<(d0, d1) -> (0, 0)>
#map1 = affine_map<(d0, d1) -> (0)>
module attributes {stable_mosaic.version = 14 : i64} {
  func.func @_edge_body(%arg0: i32, %arg1: i32, %arg2: memref<20000x128xf32, #tpu.memory_space<hbm>>, %arg3: memref<320000xi32, #tpu.memory_space<hbm>>, %arg4: memref<20000x128xf32, #tpu.memory_space<hbm>>, %arg5: memref<10000xi32, #tpu.memory_space<vmem>>, %arg6: memref<10000xi32, #tpu.memory_space<vmem>>, %arg7: memref<3x80x128xf32, #tpu.memory_space<vmem>>, %arg8: memref<10000x128xf32, #tpu.memory_space<vmem_shared>>, %arg9: memref<3x!tpu.dma_semaphore, #tpu.memory_space<semaphore_mem>>, %arg10: memref<3x!tpu.dma_semaphore, #tpu.memory_space<semaphore_mem>>, %arg11: memref<1x!tpu.dma_semaphore, #tpu.memory_space<semaphore_mem>>) attributes {dimension_semantics = [#tpu.dimension_semantics<core_parallel>, #tpu.dimension_semantics<subcore_parallel>], iteration_bounds = array<i64: 2, 16>, scalar_prefetch = 0 : i64, scratch_operands = 7 : i64, tpu.core_type = #tpu.core_type<sc_vector_subcore>, window_params = [{transform_indices = #map}, {transform_indices = #map1}, {transform_indices = #map}]} {
    %lt3A = arith.constant 15 : i32
    %lt3A_0 = arith.cmpi slt, %arg1, %lt3A : i32
    %convert_element_type3A = arith.extui %lt3A_0 : i1 to i32
    %cond3A = arith.constant 0 : i32
    %cond3A_1 = arith.cmpi ne, %convert_element_type3A, %cond3A : i32
    scf.if %cond3A_1 {
      %mul3A_82 = arith.constant 10000 : i32
      %mul3A_83 = arith.muli %arg0, %mul3A_82 : i32
      %mul3A_84 = arith.constant 632 : i32
      %mul3A_85 = arith.muli %arg1, %mul3A_84 : i32
      %add3A_86 = arith.addi %mul3A_83, %mul3A_85 : i32
      %mul3A_87 = arith.constant 632 : i32
      %mul3A_88 = arith.muli %arg1, %mul3A_87 : i32
      %dma_start3A_89 = arith.constant 0 : i32
      %dma_start3A_90 = tpu.memref_slice %arg11[%dma_start3A_89] : memref<1x!tpu.dma_semaphore, #tpu.memory_space<semaphore_mem>> -> memref<1x!tpu.dma_semaphore, #tpu.memory_space<semaphore_mem>>
      %dma_start3A_91 = tpu.memref_squeeze %dma_start3A_90 : memref<1x!tpu.dma_semaphore, #tpu.memory_space<semaphore_mem>> -> memref<!tpu.dma_semaphore, #tpu.memory_space<semaphore_mem>>
      %dma_start3A_92 = arith.constant 0 : i32
      %dma_start3A_93 = tpu.memref_slice %arg8[%mul3A_88, %dma_start3A_92] : memref<10000x128xf32, #tpu.memory_space<vmem_shared>> -> memref<632x128xf32, #tpu.memory_space<vmem_shared>>
      %dma_start3A_94 = arith.constant 0 : i32
      %dma_start3A_95 = tpu.memref_slice %arg2[%add3A_86, %dma_start3A_94] : memref<20000x128xf32, #tpu.memory_space<hbm>> -> memref<632x128xf32, #tpu.memory_space<hbm>>
      tpu.enqueue_dma source(%dma_start3A_95 : memref<632x128xf32, #tpu.memory_space<hbm>>) target(%dma_start3A_93 : memref<632x128xf32, #tpu.memory_space<vmem_shared>>) target_semaphore(%dma_start3A_91 : memref<!tpu.dma_semaphore, #tpu.memory_space<semaphore_mem>>)
    } else {
    }
    %eq3A = arith.constant 15 : i32
    %eq3A_2 = arith.cmpi eq, %arg1, %eq3A : i32
    %convert_element_type3A_3 = arith.extui %eq3A_2 : i1 to i32
    %cond3A_4 = arith.constant 0 : i32
    %cond3A_5 = arith.cmpi ne, %convert_element_type3A_3, %cond3A_4 : i32
    scf.if %cond3A_5 {
      %mul3A_82 = arith.constant 10000 : i32
      %mul3A_83 = arith.muli %arg0, %mul3A_82 : i32
      %mul3A_84 = arith.constant 632 : i32
      %mul3A_85 = arith.muli %arg1, %mul3A_84 : i32
      %add3A_86 = arith.addi %mul3A_83, %mul3A_85 : i32
      %mul3A_87 = arith.constant 632 : i32
      %mul3A_88 = arith.muli %arg1, %mul3A_87 : i32
      %dma_start3A_89 = arith.constant 0 : i32
      %dma_start3A_90 = tpu.memref_slice %arg11[%dma_start3A_89] : memref<1x!tpu.dma_semaphore, #tpu.memory_space<semaphore_mem>> -> memref<1x!tpu.dma_semaphore, #tpu.memory_space<semaphore_mem>>
      %dma_start3A_91 = tpu.memref_squeeze %dma_start3A_90 : memref<1x!tpu.dma_semaphore, #tpu.memory_space<semaphore_mem>> -> memref<!tpu.dma_semaphore, #tpu.memory_space<semaphore_mem>>
      %dma_start3A_92 = arith.constant 0 : i32
      %dma_start3A_93 = tpu.memref_slice %arg8[%mul3A_88, %dma_start3A_92] : memref<10000x128xf32, #tpu.memory_space<vmem_shared>> -> memref<520x128xf32, #tpu.memory_space<vmem_shared>>
      %dma_start3A_94 = arith.constant 0 : i32
      %dma_start3A_95 = tpu.memref_slice %arg2[%add3A_86, %dma_start3A_94] : memref<20000x128xf32, #tpu.memory_space<hbm>> -> memref<520x128xf32, #tpu.memory_space<hbm>>
      tpu.enqueue_dma source(%dma_start3A_95 : memref<520x128xf32, #tpu.memory_space<hbm>>) target(%dma_start3A_93 : memref<520x128xf32, #tpu.memory_space<vmem_shared>>) target_semaphore(%dma_start3A_91 : memref<!tpu.dma_semaphore, #tpu.memory_space<semaphore_mem>>)
    } else {
    }
    %mul3A = arith.constant 10000 : i32
    %mul3A_6 = arith.muli %arg1, %mul3A : i32
    "tpu.region"() ({
      %run_scoped3A = tpu.sem_alloc : memref<!tpu.dma_semaphore, #tpu.memory_space<semaphore_mem>>
      %dma_start3A_82 = tpu.memref_slice %arg3[%mul3A_6] : memref<320000xi32, #tpu.memory_space<hbm>> -> memref<10000xi32, #tpu.memory_space<hbm>>
      %dma_start3A_83 = tpu.memref_slice %arg3[%mul3A_6] : memref<320000xi32, #tpu.memory_space<hbm>> -> memref<10000xi32, #tpu.memory_space<hbm>>
      tpu.enqueue_dma source(%dma_start3A_83 : memref<10000xi32, #tpu.memory_space<hbm>>) target(%arg5 : memref<10000xi32, #tpu.memory_space<vmem>>) target_semaphore(%run_scoped3A : memref<!tpu.dma_semaphore, #tpu.memory_space<semaphore_mem>>)
      %dma_wait3A_84 = tpu.memref_slice %arg3[%mul3A_6] : memref<320000xi32, #tpu.memory_space<hbm>> -> memref<10000xi32, #tpu.memory_space<hbm>>
      %dma_wait3A_85 = tpu.memref_slice %arg3[%mul3A_6] : memref<320000xi32, #tpu.memory_space<hbm>> -> memref<10000xi32, #tpu.memory_space<hbm>>
      tpu.wait_dma2 semaphore(%run_scoped3A : memref<!tpu.dma_semaphore, #tpu.memory_space<semaphore_mem>>) src(%dma_wait3A_85 : memref<10000xi32, #tpu.memory_space<hbm>>) dst(%arg5 : memref<10000xi32, #tpu.memory_space<vmem>>)
      tpu.yield
    }) : () -> ()
    %mul3A_7 = arith.constant 10000 : i32
    %mul3A_8 = arith.muli %arg1, %mul3A_7 : i32
    %add3A = arith.constant 160000 : i32
    %add3A_9 = arith.addi %add3A, %mul3A_8 : i32
    "tpu.region"() ({
      %run_scoped3A = tpu.sem_alloc : memref<!tpu.dma_semaphore, #tpu.memory_space<semaphore_mem>>
      %dma_start3A_82 = tpu.memref_slice %arg3[%add3A_9] : memref<320000xi32, #tpu.memory_space<hbm>> -> memref<10000xi32, #tpu.memory_space<hbm>>
      %dma_start3A_83 = tpu.memref_slice %arg3[%add3A_9] : memref<320000xi32, #tpu.memory_space<hbm>> -> memref<10000xi32, #tpu.memory_space<hbm>>
      tpu.enqueue_dma source(%dma_start3A_83 : memref<10000xi32, #tpu.memory_space<hbm>>) target(%arg6 : memref<10000xi32, #tpu.memory_space<vmem>>) target_semaphore(%run_scoped3A : memref<!tpu.dma_semaphore, #tpu.memory_space<semaphore_mem>>)
      %dma_wait3A_84 = tpu.memref_slice %arg3[%add3A_9] : memref<320000xi32, #tpu.memory_space<hbm>> -> memref<10000xi32, #tpu.memory_space<hbm>>
      %dma_wait3A_85 = tpu.memref_slice %arg3[%add3A_9] : memref<320000xi32, #tpu.memory_space<hbm>> -> memref<10000xi32, #tpu.memory_space<hbm>>
      tpu.wait_dma2 semaphore(%run_scoped3A : memref<!tpu.dma_semaphore, #tpu.memory_space<semaphore_mem>>) src(%dma_wait3A_85 : memref<10000xi32, #tpu.memory_space<hbm>>) dst(%arg6 : memref<10000xi32, #tpu.memory_space<vmem>>)
      tpu.yield
    }) : () -> ()
    %broadcast_in_dim3A = arith.constant 1 : i32
    %broadcast_in_dim3A_10 = vector.broadcast %broadcast_in_dim3A : i32 to vector<16xi32>
    %mul3A_11 = arith.constant 10000 : i32
    %mul3A_12 = arith.muli %arg0, %mul3A_11 : i32
    %mul3A_13 = vector.broadcast %mul3A_12 : i32 to vector<16xi32>
    %mul3A_14 = arith.muli %broadcast_in_dim3A_10, %mul3A_13 : vector<16xi32>
    %scan3A = arith.constant 0 : i32
    %scan3A_15 = arith.constant 625 : i32
    %scan3A_16 = arith.addi %scan3A, %scan3A_15 : i32
    %scan3A_17 = arith.constant 1 : i32
    scf.for %scan3A_82 = %scan3A to %scan3A_16 step %scan3A_17  : i32 {
      %mul3A_83 = arith.constant 16 : i32
      %mul3A_84 = arith.muli %scan3A_82, %mul3A_83 : i32
      %get3A = arith.index_cast %mul3A_84 : i32 to index
      %get3A_85 = tpu.vector_load %arg5[%get3A] {strides = array<i32>} : memref<10000xi32, #tpu.memory_space<vmem>>, vector<16xi32>,
      %add3A_86 = arith.addi %get3A_85, %mul3A_14 : vector<16xi32>
      %mul3A_87 = arith.constant 16 : i32
      %mul3A_88 = arith.muli %scan3A_82, %mul3A_87 : i32
      %swap3A = arith.index_cast %mul3A_88 : i32 to index
      %swap3A_89 = tpu.vector_load %arg5[%swap3A] {strides = array<i32>} : memref<10000xi32, #tpu.memory_space<vmem>>, vector<16xi32>,
      tpu.vector_store %arg5[%swap3A], %add3A_86 {strides = array<i32>} : memref<10000xi32, #tpu.memory_space<vmem>>, vector<16xi32>,
    }
    %scan3A_18 = arith.constant 625 : i32
    %lt3A_19 = arith.constant 15 : i32
    %lt3A_20 = arith.cmpi slt, %arg1, %lt3A_19 : i32
    %convert_element_type3A_21 = arith.extui %lt3A_20 : i1 to i32
    %cond3A_22 = arith.constant 0 : i32
    %cond3A_23 = arith.cmpi ne, %convert_element_type3A_21, %cond3A_22 : i32
    scf.if %cond3A_23 {
      %mul3A_82 = arith.constant 10000 : i32
      %mul3A_83 = arith.muli %arg0, %mul3A_82 : i32
      %mul3A_84 = arith.constant 632 : i32
      %mul3A_85 = arith.muli %arg1, %mul3A_84 : i32
      %add3A_86 = arith.addi %mul3A_83, %mul3A_85 : i32
      %mul3A_87 = arith.constant 632 : i32
      %mul3A_88 = arith.muli %arg1, %mul3A_87 : i32
      %dma_wait3A_89 = arith.constant 0 : i32
      %dma_wait3A_90 = tpu.memref_slice %arg11[%dma_wait3A_89] : memref<1x!tpu.dma_semaphore, #tpu.memory_space<semaphore_mem>> -> memref<1x!tpu.dma_semaphore, #tpu.memory_space<semaphore_mem>>
      %dma_wait3A_91 = tpu.memref_squeeze %dma_wait3A_90 : memref<1x!tpu.dma_semaphore, #tpu.memory_space<semaphore_mem>> -> memref<!tpu.dma_semaphore, #tpu.memory_space<semaphore_mem>>
      %dma_wait3A_92 = arith.constant 0 : i32
      %dma_wait3A_93 = tpu.memref_slice %arg8[%mul3A_88, %dma_wait3A_92] : memref<10000x128xf32, #tpu.memory_space<vmem_shared>> -> memref<632x128xf32, #tpu.memory_space<vmem_shared>>
      %dma_wait3A_94 = arith.constant 0 : i32
      %dma_wait3A_95 = tpu.memref_slice %arg2[%add3A_86, %dma_wait3A_94] : memref<20000x128xf32, #tpu.memory_space<hbm>> -> memref<632x128xf32, #tpu.memory_space<hbm>>
      tpu.wait_dma2 semaphore(%dma_wait3A_91 : memref<!tpu.dma_semaphore, #tpu.memory_space<semaphore_mem>>) src(%dma_wait3A_95 : memref<632x128xf32, #tpu.memory_space<hbm>>) dst(%dma_wait3A_93 : memref<632x128xf32, #tpu.memory_space<vmem_shared>>)
    } else {
    }
    %eq3A_24 = arith.constant 15 : i32
    %eq3A_25 = arith.cmpi eq, %arg1, %eq3A_24 : i32
    %convert_element_type3A_26 = arith.extui %eq3A_25 : i1 to i32
    %cond3A_27 = arith.constant 0 : i32
    %cond3A_28 = arith.cmpi ne, %convert_element_type3A_26, %cond3A_27 : i32
    scf.if %cond3A_28 {
      %mul3A_82 = arith.constant 10000 : i32
      %mul3A_83 = arith.muli %arg0, %mul3A_82 : i32
      %mul3A_84 = arith.constant 632 : i32
      %mul3A_85 = arith.muli %arg1, %mul3A_84 : i32
      %add3A_86 = arith.addi %mul3A_83, %mul3A_85 : i32
      %mul3A_87 = arith.constant 632 : i32
      %mul3A_88 = arith.muli %arg1, %mul3A_87 : i32
      %dma_wait3A_89 = arith.constant 0 : i32
      %dma_wait3A_90 = tpu.memref_slice %arg11[%dma_wait3A_89] : memref<1x!tpu.dma_semaphore, #tpu.memory_space<semaphore_mem>> -> memref<1x!tpu.dma_semaphore, #tpu.memory_space<semaphore_mem>>
      %dma_wait3A_91 = tpu.memref_squeeze %dma_wait3A_90 : memref<1x!tpu.dma_semaphore, #tpu.memory_space<semaphore_mem>> -> memref<!tpu.dma_semaphore, #tpu.memory_space<semaphore_mem>>
      %dma_wait3A_92 = arith.constant 0 : i32
      %dma_wait3A_93 = tpu.memref_slice %arg8[%mul3A_88, %dma_wait3A_92] : memref<10000x128xf32, #tpu.memory_space<vmem_shared>> -> memref<520x128xf32, #tpu.memory_space<vmem_shared>>
      %dma_wait3A_94 = arith.constant 0 : i32
      %dma_wait3A_95 = tpu.memref_slice %arg2[%add3A_86, %dma_wait3A_94] : memref<20000x128xf32, #tpu.memory_space<hbm>> -> memref<520x128xf32, #tpu.memory_space<hbm>>
      tpu.wait_dma2 semaphore(%dma_wait3A_91 : memref<!tpu.dma_semaphore, #tpu.memory_space<semaphore_mem>>) src(%dma_wait3A_95 : memref<520x128xf32, #tpu.memory_space<hbm>>) dst(%dma_wait3A_93 : memref<520x128xf32, #tpu.memory_space<vmem_shared>>)
    } else {
    }
    %barrier3A = arith.constant 0 : index
    tpu.barrier barrier_id(%barrier3A)
    %dma_start3A = arith.constant 0 : i32
    %dma_start3A_29 = arith.constant 0 : i32
    %dma_start3A_30 = arith.constant 0 : i32
    %dma_start3A_31 = arith.constant 0 : i32
    %dma_start3A_32 = tpu.memref_slice %arg7[%dma_start3A, %dma_start3A_30, %dma_start3A_31] : memref<3x80x128xf32, #tpu.memory_space<vmem>> -> memref<1x80x128xf32, #tpu.memory_space<vmem>>
    %dma_start3A_33 = tpu.memref_squeeze %dma_start3A_32 : memref<1x80x128xf32, #tpu.memory_space<vmem>> -> memref<80x128xf32, #tpu.memory_space<vmem>>
    %dma_start3A_34 = arith.constant 0 : i32
    %dma_start3A_35 = tpu.memref_slice %arg5[%dma_start3A_34] : memref<10000xi32, #tpu.memory_space<vmem>> -> memref<80xi32, #tpu.memory_space<vmem>>
    %dma_start3A_36 = arith.constant 0 : i32
    %dma_start3A_37 = arith.constant 0 : i32
    %dma_start3A_38 = tpu.memref_slice %arg2[%dma_start3A_36, %dma_start3A_37] : memref<20000x128xf32, #tpu.memory_space<hbm>> -> memref<20000x128xf32, #tpu.memory_space<hbm>>
    %dma_start3A_39 = tpu.memref_slice %arg9[%dma_start3A_29] : memref<3x!tpu.dma_semaphore, #tpu.memory_space<semaphore_mem>> -> memref<1x!tpu.dma_semaphore, #tpu.memory_space<semaphore_mem>>
    %dma_start3A_40 = tpu.memref_squeeze %dma_start3A_39 : memref<1x!tpu.dma_semaphore, #tpu.memory_space<semaphore_mem>> -> memref<!tpu.dma_semaphore, #tpu.memory_space<semaphore_mem>>
    tpu.enqueue_indirect_dma source(%dma_start3A_38 : memref<20000x128xf32, #tpu.memory_space<hbm>>) target(%dma_start3A_33 : memref<80x128xf32, #tpu.memory_space<vmem>>) offsets(%dma_start3A_35 : memref<80xi32, #tpu.memory_space<vmem>>) semaphore(%dma_start3A_40 : memref<!tpu.dma_semaphore, #tpu.memory_space<semaphore_mem>>)
    %scan3A_41 = arith.constant 0 : i32
    %scan3A_42 = arith.constant 125 : i32
    %scan3A_43 = arith.addi %scan3A_41, %scan3A_42 : i32
    %scan3A_44 = arith.constant 1 : i32
    scf.for %scan3A_82 = %scan3A_41 to %scan3A_43 step %scan3A_44  : i32 {
      %rem3A = arith.constant 3 : i32
      %rem3A_83 = arith.remsi %scan3A_82, %rem3A : i32
      %add3A_84 = arith.constant 1 : i32
      %add3A_85 = arith.addi %scan3A_82, %add3A_84 : i32
      %rem3A_86 = arith.constant 3 : i32
      %rem3A_87 = arith.remsi %add3A_85, %rem3A_86 : i32
      %ge3A = arith.constant 2 : i32
      %ge3A_88 = arith.cmpi sge, %scan3A_82, %ge3A : i32
      %convert_element_type3A_89 = arith.extui %ge3A_88 : i1 to i32
      %cond3A_90 = arith.constant 0 : i32
      %cond3A_91 = arith.cmpi ne, %convert_element_type3A_89, %cond3A_90 : i32
      scf.if %cond3A_91 {
        %sub3A = arith.constant 3 : i32
        %sub3A_123 = arith.subi %scan3A_82, %sub3A : i32
        %add3A_124 = arith.constant 1 : i32
        %add3A_125 = arith.addi %sub3A_123, %add3A_124 : i32
        %mul3A_126 = arith.constant 80 : i32
        %mul3A_127 = arith.muli %add3A_125, %mul3A_126 : i32
        %dma_wait3A_128 = arith.constant 0 : i32
        %dma_wait3A_129 = arith.constant 0 : i32
        %dma_wait3A_130 = tpu.memref_slice %arg7[%rem3A_87, %dma_wait3A_128, %dma_wait3A_129] : memref<3x80x128xf32, #tpu.memory_space<vmem>> -> memref<1x80x128xf32, #tpu.memory_space<vmem>>
        %dma_wait3A_131 = tpu.memref_squeeze %dma_wait3A_130 : memref<1x80x128xf32, #tpu.memory_space<vmem>> -> memref<80x128xf32, #tpu.memory_space<vmem>>
        %dma_wait3A_132 = tpu.memref_slice %arg6[%mul3A_127] : memref<10000xi32, #tpu.memory_space<vmem>> -> memref<80xi32, #tpu.memory_space<vmem>>
        %dma_wait3A_133 = arith.constant 0 : i32
        %dma_wait3A_134 = arith.constant 0 : i32
        %dma_wait3A_135 = tpu.memref_slice %arg8[%dma_wait3A_133, %dma_wait3A_134] : memref<10000x128xf32, #tpu.memory_space<vmem_shared>> -> memref<10000x128xf32, #tpu.memory_space<vmem_shared>>
        %dma_wait3A_136 = tpu.memref_slice %arg10[%rem3A_87] : memref<3x!tpu.dma_semaphore, #tpu.memory_space<semaphore_mem>> -> memref<1x!tpu.dma_semaphore, #tpu.memory_space<semaphore_mem>>
        %dma_wait3A_137 = tpu.memref_squeeze %dma_wait3A_136 : memref<1x!tpu.dma_semaphore, #tpu.memory_space<semaphore_mem>> -> memref<!tpu.dma_semaphore, #tpu.memory_space<semaphore_mem>>
        tpu.wait_indirect_dma semaphore(%dma_wait3A_137 : memref<!tpu.dma_semaphore, #tpu.memory_space<semaphore_mem>>) src(%dma_wait3A_131 : memref<80x128xf32, #tpu.memory_space<vmem>>) dst(%dma_wait3A_135 : memref<10000x128xf32, #tpu.memory_space<vmem_shared>>)
      } else {
      }
      %add3A_92 = arith.constant 1 : i32
      %add3A_93 = arith.addi %scan3A_82, %add3A_92 : i32
      %lt3A_94 = arith.constant 125 : i32
      %lt3A_95 = arith.cmpi slt, %add3A_93, %lt3A_94 : i32
      %convert_element_type3A_96 = arith.extui %lt3A_95 : i1 to i32
      %cond3A_97 = arith.constant 0 : i32
      %cond3A_98 = arith.cmpi ne, %convert_element_type3A_96, %cond3A_97 : i32
      scf.if %cond3A_98 {
        %add3A_123 = arith.constant 1 : i32
        %add3A_124 = arith.addi %scan3A_82, %add3A_123 : i32
        %mul3A_125 = arith.constant 80 : i32
        %mul3A_126 = arith.muli %add3A_124, %mul3A_125 : i32
        %dma_start3A_127 = arith.constant 0 : i32
        %dma_start3A_128 = arith.constant 0 : i32
        %dma_start3A_129 = tpu.memref_slice %arg7[%rem3A_87, %dma_start3A_127, %dma_start3A_128] : memref<3x80x128xf32, #tpu.memory_space<vmem>> -> memref<1x80x128xf32, #tpu.memory_space<vmem>>
        %dma_start3A_130 = tpu.memref_squeeze %dma_start3A_129 : memref<1x80x128xf32, #tpu.memory_space<vmem>> -> memref<80x128xf32, #tpu.memory_space<vmem>>
        %dma_start3A_131 = tpu.memref_slice %arg5[%mul3A_126] : memref<10000xi32, #tpu.memory_space<vmem>> -> memref<80xi32, #tpu.memory_space<vmem>>
        %dma_start3A_132 = arith.constant 0 : i32
        %dma_start3A_133 = arith.constant 0 : i32
        %dma_start3A_134 = tpu.memref_slice %arg2[%dma_start3A_132, %dma_start3A_133] : memref<20000x128xf32, #tpu.memory_space<hbm>> -> memref<20000x128xf32, #tpu.memory_space<hbm>>
        %dma_start3A_135 = tpu.memref_slice %arg9[%rem3A_87] : memref<3x!tpu.dma_semaphore, #tpu.memory_space<semaphore_mem>> -> memref<1x!tpu.dma_semaphore, #tpu.memory_space<semaphore_mem>>
        %dma_start3A_136 = tpu.memref_squeeze %dma_start3A_135 : memref<1x!tpu.dma_semaphore, #tpu.memory_space<semaphore_mem>> -> memref<!tpu.dma_semaphore, #tpu.memory_space<semaphore_mem>>
        tpu.enqueue_indirect_dma source(%dma_start3A_134 : memref<20000x128xf32, #tpu.memory_space<hbm>>) target(%dma_start3A_130 : memref<80x128xf32, #tpu.memory_space<vmem>>) offsets(%dma_start3A_131 : memref<80xi32, #tpu.memory_space<vmem>>) semaphore(%dma_start3A_136 : memref<!tpu.dma_semaphore, #tpu.memory_space<semaphore_mem>>)
      } else {
      }
      %mul3A_99 = arith.constant 80 : i32
      %mul3A_100 = arith.muli %scan3A_82, %mul3A_99 : i32
      %dma_wait3A_101 = arith.constant 0 : i32
      %dma_wait3A_102 = arith.constant 0 : i32
      %dma_wait3A_103 = tpu.memref_slice %arg7[%rem3A_83, %dma_wait3A_101, %dma_wait3A_102] : memref<3x80x128xf32, #tpu.memory_space<vmem>> -> memref<1x80x128xf32, #tpu.memory_space<vmem>>
      %dma_wait3A_104 = tpu.memref_squeeze %dma_wait3A_103 : memref<1x80x128xf32, #tpu.memory_space<vmem>> -> memref<80x128xf32, #tpu.memory_space<vmem>>
      %dma_wait3A_105 = tpu.memref_slice %arg5[%mul3A_100] : memref<10000xi32, #tpu.memory_space<vmem>> -> memref<80xi32, #tpu.memory_space<vmem>>
      %dma_wait3A_106 = arith.constant 0 : i32
      %dma_wait3A_107 = arith.constant 0 : i32
      %dma_wait3A_108 = tpu.memref_slice %arg2[%dma_wait3A_106, %dma_wait3A_107] : memref<20000x128xf32, #tpu.memory_space<hbm>> -> memref<20000x128xf32, #tpu.memory_space<hbm>>
      %dma_wait3A_109 = tpu.memref_slice %arg9[%rem3A_83] : memref<3x!tpu.dma_semaphore, #tpu.memory_space<semaphore_mem>> -> memref<1x!tpu.dma_semaphore, #tpu.memory_space<semaphore_mem>>
      %dma_wait3A_110 = tpu.memref_squeeze %dma_wait3A_109 : memref<1x!tpu.dma_semaphore, #tpu.memory_space<semaphore_mem>> -> memref<!tpu.dma_semaphore, #tpu.memory_space<semaphore_mem>>
      tpu.wait_indirect_dma semaphore(%dma_wait3A_110 : memref<!tpu.dma_semaphore, #tpu.memory_space<semaphore_mem>>) src(%dma_wait3A_108 : memref<20000x128xf32, #tpu.memory_space<hbm>>) dst(%dma_wait3A_104 : memref<80x128xf32, #tpu.memory_space<vmem>>)
      %mul3A_111 = arith.constant 80 : i32
      %mul3A_112 = arith.muli %scan3A_82, %mul3A_111 : i32
      %dma_start3A_113 = arith.constant 0 : i32
      %dma_start3A_114 = arith.constant 0 : i32
      %dma_start3A_115 = tpu.memref_slice %arg7[%rem3A_83, %dma_start3A_113, %dma_start3A_114] : memref<3x80x128xf32, #tpu.memory_space<vmem>> -> memref<1x80x128xf32, #tpu.memory_space<vmem>>
      %dma_start3A_116 = tpu.memref_squeeze %dma_start3A_115 : memref<1x80x128xf32, #tpu.memory_space<vmem>> -> memref<80x128xf32, #tpu.memory_space<vmem>>
      %dma_start3A_117 = tpu.memref_slice %arg6[%mul3A_112] : memref<10000xi32, #tpu.memory_space<vmem>> -> memref<80xi32, #tpu.memory_space<vmem>>
      %dma_start3A_118 = arith.constant 0 : i32
      %dma_start3A_119 = arith.constant 0 : i32
      %dma_start3A_120 = tpu.memref_slice %arg8[%dma_start3A_118, %dma_start3A_119] : memref<10000x128xf32, #tpu.memory_space<vmem_shared>> -> memref<10000x128xf32, #tpu.memory_space<vmem_shared>>
      %dma_start3A_121 = tpu.memref_slice %arg10[%rem3A_83] : memref<3x!tpu.dma_semaphore, #tpu.memory_space<semaphore_mem>> -> memref<1x!tpu.dma_semaphore, #tpu.memory_space<semaphore_mem>>
      %dma_start3A_122 = tpu.memref_squeeze %dma_start3A_121 : memref<1x!tpu.dma_semaphore, #tpu.memory_space<semaphore_mem>> -> memref<!tpu.dma_semaphore, #tpu.memory_space<semaphore_mem>>
      tpu.enqueue_indirect_dma source(%dma_start3A_116 : memref<80x128xf32, #tpu.memory_space<vmem>>) target(%dma_start3A_120 : memref<10000x128xf32, #tpu.memory_space<vmem_shared>>) offsets(%dma_start3A_117 : memref<80xi32, #tpu.memory_space<vmem>>) semaphore(%dma_start3A_122 : memref<!tpu.dma_semaphore, #tpu.memory_space<semaphore_mem>>) {add = true}
    }
    %scan3A_45 = arith.constant 125 : i32
    %dma_wait3A = arith.constant 0 : i32
    %dma_wait3A_46 = arith.constant 0 : i32
    %dma_wait3A_47 = arith.constant 0 : i32
    %dma_wait3A_48 = arith.constant 0 : i32
    %dma_wait3A_49 = tpu.memref_slice %arg7[%dma_wait3A, %dma_wait3A_47, %dma_wait3A_48] : memref<3x80x128xf32, #tpu.memory_space<vmem>> -> memref<1x80x128xf32, #tpu.memory_space<vmem>>
    %dma_wait3A_50 = tpu.memref_squeeze %dma_wait3A_49 : memref<1x80x128xf32, #tpu.memory_space<vmem>> -> memref<80x128xf32, #tpu.memory_space<vmem>>
    %dma_wait3A_51 = arith.constant 9840 : i32
    %dma_wait3A_52 = tpu.memref_slice %arg6[%dma_wait3A_51] : memref<10000xi32, #tpu.memory_space<vmem>> -> memref<80xi32, #tpu.memory_space<vmem>>
    %dma_wait3A_53 = arith.constant 0 : i32
    %dma_wait3A_54 = arith.constant 0 : i32
    %dma_wait3A_55 = tpu.memref_slice %arg8[%dma_wait3A_53, %dma_wait3A_54] : memref<10000x128xf32, #tpu.memory_space<vmem_shared>> -> memref<10000x128xf32, #tpu.memory_space<vmem_shared>>
    %dma_wait3A_56 = tpu.memref_slice %arg10[%dma_wait3A_46] : memref<3x!tpu.dma_semaphore, #tpu.memory_space<semaphore_mem>> -> memref<1x!tpu.dma_semaphore, #tpu.memory_space<semaphore_mem>>
    %dma_wait3A_57 = tpu.memref_squeeze %dma_wait3A_56 : memref<1x!tpu.dma_semaphore, #tpu.memory_space<semaphore_mem>> -> memref<!tpu.dma_semaphore, #tpu.memory_space<semaphore_mem>>
    tpu.wait_indirect_dma semaphore(%dma_wait3A_57 : memref<!tpu.dma_semaphore, #tpu.memory_space<semaphore_mem>>) src(%dma_wait3A_50 : memref<80x128xf32, #tpu.memory_space<vmem>>) dst(%dma_wait3A_55 : memref<10000x128xf32, #tpu.memory_space<vmem_shared>>)
    %dma_wait3A_58 = arith.constant 1 : i32
    %dma_wait3A_59 = arith.constant 1 : i32
    %dma_wait3A_60 = arith.constant 0 : i32
    %dma_wait3A_61 = arith.constant 0 : i32
    %dma_wait3A_62 = tpu.memref_slice %arg7[%dma_wait3A_58, %dma_wait3A_60, %dma_wait3A_61] : memref<3x80x128xf32, #tpu.memory_space<vmem>> -> memref<1x80x128xf32, #tpu.memory_space<vmem>>
    %dma_wait3A_63 = tpu.memref_squeeze %dma_wait3A_62 : memref<1x80x128xf32, #tpu.memory_space<vmem>> -> memref<80x128xf32, #tpu.memory_space<vmem>>
    %dma_wait3A_64 = arith.constant 9920 : i32
    %dma_wait3A_65 = tpu.memref_slice %arg6[%dma_wait3A_64] : memref<10000xi32, #tpu.memory_space<vmem>> -> memref<80xi32, #tpu.memory_space<vmem>>
    %dma_wait3A_66 = arith.constant 0 : i32
    %dma_wait3A_67 = arith.constant 0 : i32
    %dma_wait3A_68 = tpu.memref_slice %arg8[%dma_wait3A_66, %dma_wait3A_67] : memref<10000x128xf32, #tpu.memory_space<vmem_shared>> -> memref<10000x128xf32, #tpu.memory_space<vmem_shared>>
    %dma_wait3A_69 = tpu.memref_slice %arg10[%dma_wait3A_59] : memref<3x!tpu.dma_semaphore, #tpu.memory_space<semaphore_mem>> -> memref<1x!tpu.dma_semaphore, #tpu.memory_space<semaphore_mem>>
    %dma_wait3A_70 = tpu.memref_squeeze %dma_wait3A_69 : memref<1x!tpu.dma_semaphore, #tpu.memory_space<semaphore_mem>> -> memref<!tpu.dma_semaphore, #tpu.memory_space<semaphore_mem>>
    tpu.wait_indirect_dma semaphore(%dma_wait3A_70 : memref<!tpu.dma_semaphore, #tpu.memory_space<semaphore_mem>>) src(%dma_wait3A_63 : memref<80x128xf32, #tpu.memory_space<vmem>>) dst(%dma_wait3A_68 : memref<10000x128xf32, #tpu.memory_space<vmem_shared>>)
    %barrier3A_71 = arith.constant 0 : index
    tpu.barrier barrier_id(%barrier3A_71)
    %lt3A_72 = arith.constant 15 : i32
    %lt3A_73 = arith.cmpi slt, %arg1, %lt3A_72 : i32
    %convert_element_type3A_74 = arith.extui %lt3A_73 : i1 to i32
    %cond3A_75 = arith.constant 0 : i32
    %cond3A_76 = arith.cmpi ne, %convert_element_type3A_74, %cond3A_75 : i32
    scf.if %cond3A_76 {
      %mul3A_82 = arith.constant 632 : i32
      %mul3A_83 = arith.muli %arg1, %mul3A_82 : i32
      %mul3A_84 = arith.constant 10000 : i32
      %mul3A_85 = arith.muli %arg0, %mul3A_84 : i32
      %mul3A_86 = arith.constant 632 : i32
      %mul3A_87 = arith.muli %arg1, %mul3A_86 : i32
      %add3A_88 = arith.addi %mul3A_85, %mul3A_87 : i32
      "tpu.region"() ({
        %run_scoped3A = tpu.sem_alloc : memref<!tpu.dma_semaphore, #tpu.memory_space<semaphore_mem>>
        %dma_start3A_89 = arith.constant 0 : i32
        %dma_start3A_90 = tpu.memref_slice %arg4[%add3A_88, %dma_start3A_89] : memref<20000x128xf32, #tpu.memory_space<hbm>> -> memref<632x128xf32, #tpu.memory_space<hbm>>
        %dma_start3A_91 = arith.constant 0 : i32
        %dma_start3A_92 = tpu.memref_slice %arg8[%mul3A_83, %dma_start3A_91] : memref<10000x128xf32, #tpu.memory_space<vmem_shared>> -> memref<632x128xf32, #tpu.memory_space<vmem_shared>>
        tpu.enqueue_dma source(%dma_start3A_92 : memref<632x128xf32, #tpu.memory_space<vmem_shared>>) target(%dma_start3A_90 : memref<632x128xf32, #tpu.memory_space<hbm>>) target_semaphore(%run_scoped3A : memref<!tpu.dma_semaphore, #tpu.memory_space<semaphore_mem>>)
        %dma_wait3A_93 = arith.constant 0 : i32
        %dma_wait3A_94 = tpu.memref_slice %arg4[%add3A_88, %dma_wait3A_93] : memref<20000x128xf32, #tpu.memory_space<hbm>> -> memref<632x128xf32, #tpu.memory_space<hbm>>
        %dma_wait3A_95 = arith.constant 0 : i32
        %dma_wait3A_96 = tpu.memref_slice %arg8[%mul3A_83, %dma_wait3A_95] : memref<10000x128xf32, #tpu.memory_space<vmem_shared>> -> memref<632x128xf32, #tpu.memory_space<vmem_shared>>
        tpu.wait_dma2 semaphore(%run_scoped3A : memref<!tpu.dma_semaphore, #tpu.memory_space<semaphore_mem>>) src(%dma_wait3A_96 : memref<632x128xf32, #tpu.memory_space<vmem_shared>>) dst(%dma_wait3A_94 : memref<632x128xf32, #tpu.memory_space<hbm>>)
        tpu.yield
      }) : () -> ()
    } else {
    }
    %eq3A_77 = arith.constant 15 : i32
    %eq3A_78 = arith.cmpi eq, %arg1, %eq3A_77 : i32
    %convert_element_type3A_79 = arith.extui %eq3A_78 : i1 to i32
    %cond3A_80 = arith.constant 0 : i32
    %cond3A_81 = arith.cmpi ne, %convert_element_type3A_79, %cond3A_80 : i32
    scf.if %cond3A_81 {
      %mul3A_82 = arith.constant 632 : i32
      %mul3A_83 = arith.muli %arg1, %mul3A_82 : i32
      %mul3A_84 = arith.constant 10000 : i32
      %mul3A_85 = arith.muli %arg0, %mul3A_84 : i32
      %mul3A_86 = arith.constant 632 : i32
      %mul3A_87 = arith.muli %arg1, %mul3A_86 : i32
      %add3A_88 = arith.addi %mul3A_85, %mul3A_87 : i32
      "tpu.region"() ({
        %run_scoped3A = tpu.sem_alloc : memref<!tpu.dma_semaphore, #tpu.memory_space<semaphore_mem>>
        %dma_start3A_89 = arith.constant 0 : i32
        %dma_start3A_90 = tpu.memref_slice %arg4[%add3A_88, %dma_start3A_89] : memref<20000x128xf32, #tpu.memory_space<hbm>> -> memref<520x128xf32, #tpu.memory_space<hbm>>
        %dma_start3A_91 = arith.constant 0 : i32
        %dma_start3A_92 = tpu.memref_slice %arg8[%mul3A_83, %dma_start3A_91] : memref<10000x128xf32, #tpu.memory_space<vmem_shared>> -> memref<520x128xf32, #tpu.memory_space<vmem_shared>>
        tpu.enqueue_dma source(%dma_start3A_92 : memref<520x128xf32, #tpu.memory_space<vmem_shared>>) target(%dma_start3A_90 : memref<520x128xf32, #tpu.memory_space<hbm>>) target_semaphore(%run_scoped3A : memref<!tpu.dma_semaphore, #tpu.memory_space<semaphore_mem>>)
        %dma_wait3A_93 = arith.constant 0 : i32
        %dma_wait3A_94 = tpu.memref_slice %arg4[%add3A_88, %dma_wait3A_93] : memref<20000x128xf32, #tpu.memory_space<hbm>> -> memref<520x128xf32, #tpu.memory_space<hbm>>
        %dma_wait3A_95 = arith.constant 0 : i32
        %dma_wait3A_96 = tpu.memref_slice %arg8[%mul3A_83, %dma_wait3A_95] : memref<10000x128xf32, #tpu.memory_space<vmem_shared>> -> memref<520x128xf32, #tpu.memory_space<vmem_shared>>
        tpu.wait_dma2 semaphore(%run_scoped3A : memref<!tpu.dma_semaphore, #tpu.memory_space<semaphore_mem>>) src(%dma_wait3A_96 : memref<520x128xf32, #tpu.memory_space<vmem_shared>>) dst(%dma_wait3A_94 : memref<520x128xf32, #tpu.memory_space<hbm>>)
        tpu.yield
      }) : () -> ()
    } else {
    }
    return
  }
}

module attributes {stable_mosaic.version = 14 : i64} {
  func.func @_mm_body(%arg0: i32, %arg1: memref<1000x256xf32, #tpu.memory_space<vmem>>, %arg2: memref<256x256xf32, #tpu.memory_space<vmem>>, %arg3: memref<1x256xf32, #tpu.memory_space<vmem>>, %arg4: memref<1000x32xf32, #tpu.memory_space<vmem>>, %arg5: memref<2x1000x128xf32, #tpu.memory_space<vmem>>) attributes {dimension_semantics = [#tpu.dimension_semantics<arbitrary>], iteration_bounds = array<i64: 10>, scalar_prefetch = 0 : i64, scratch_operands = 0 : i64, tpu.core_type = #tpu.core_type<tc>, window_params = [{transform_indices = @transform_0, window_bounds = array<i64: 1000, 256>}, {pipeline_mode = #tpu.pipeline_mode<synchronous>, transform_indices = @transform_1, window_bounds = array<i64: 256, 256>}, {pipeline_mode = #tpu.pipeline_mode<synchronous>, transform_indices = @transform_2, window_bounds = array<i64: 1, 256>}, {transform_indices = @transform_3, window_bounds = array<i64: 1000, 32>}, {transform_indices = @transform_4, window_bounds = array<i64: 2, 1000, 128>}]} {
    %get3A = arith.constant 0 : index
    %get3A_0 = arith.constant 0 : index
    %get3A_1 = vector.load %arg1[%get3A, %get3A_0] : memref<1000x256xf32, #tpu.memory_space<vmem>>, vector<1000x256xf32>
    %get3A_2 = arith.constant 0 : index
    %get3A_3 = arith.constant 0 : index
    %get3A_4 = vector.load %arg2[%get3A_2, %get3A_3] : memref<256x256xf32, #tpu.memory_space<vmem>>, vector<256x256xf32>
    %dot_general3A = arith.constant dense<0.000000e+00> : vector<1000x256xf32>
    %dot_general3A_5 = tpu.matmul %get3A_1, %get3A_4, %dot_general3A {dimension_numbers = #tpu.dot_dimension_numbers<[1], [1], [0], [0], [0, 0, 1, 0], [], []>, transpose_lhs_hint = false} : vector<1000x256xf32>, vector<256x256xf32>, vector<1000x256xf32> -> vector<1000x256xf32>
    %get3A_6 = arith.constant 0 : index
    %get3A_7 = arith.constant 0 : index
    %get3A_8 = vector.load %arg3[%get3A_6, %get3A_7] : memref<1x256xf32, #tpu.memory_space<vmem>>, vector<1x256xf32>
    %add3A = vector.broadcast %get3A_8 : vector<1x256xf32> to vector<1000x256xf32>
    %add3A_9 = arith.addf %dot_general3A_5, %add3A : vector<1000x256xf32>
    %get3A_10 = arith.constant 0 : index
    %get3A_11 = arith.constant 0 : index
    %get3A_12 = vector.load %arg4[%get3A_10, %get3A_11] : memref<1000x32xf32, #tpu.memory_space<vmem>>, vector<1000x32xf32>
    %reduce_sum3A = arith.constant dense<0.000000e+00> : vector<1000xf32>
    %reduce_sum3A_13 = vector.multi_reduction <add>, %get3A_12, %reduce_sum3A [1] : vector<1000x32xf32> to vector<1000xf32>
    %add3A_14 = arith.constant 1.000000e+00 : f32
    %add3A_15 = vector.broadcast %add3A_14 : f32 to vector<1000xf32>
    %add3A_16 = arith.addf %reduce_sum3A_13, %add3A_15 : vector<1000xf32>
    %rsqrt3A = math.rsqrt %add3A_16 : vector<1000xf32>
    %broadcast_in_dim3A = vector.shape_cast %rsqrt3A : vector<1000xf32> to vector<1000x1xf32>
    %mul3A = vector.broadcast %broadcast_in_dim3A : vector<1000x1xf32> to vector<1000x256xf32>
    %mul3A_17 = arith.mulf %add3A_9, %mul3A : vector<1000x256xf32>
    %slice3A = vector.extract_strided_slice %mul3A_17 {offsets = [0, 0], sizes = [1000, 128], strides = [1, 1]} : vector<1000x256xf32> to vector<1000x128xf32>
    %swap3A = arith.constant 0 : index
    %swap3A_18 = arith.constant 0 : index
    %swap3A_19 = arith.constant 0 : index
    %swap3A_20 = vector.load %arg5[%swap3A, %swap3A_18, %swap3A_19] : memref<2x1000x128xf32, #tpu.memory_space<vmem>>, vector<1x1000x128xf32>
    %swap3A_21 = vector.shape_cast %swap3A_20 : vector<1x1000x128xf32> to vector<1000x128xf32>
    %swap3A_22 = vector.shape_cast %slice3A : vector<1000x128xf32> to vector<1x1000x128xf32>
    tpu.vector_store %arg5[%swap3A, %swap3A_18, %swap3A_19], %swap3A_22 {strides = array<i32>} : memref<2x1000x128xf32, #tpu.memory_space<vmem>>, vector<1x1000x128xf32>,
    %slice3A_23 = vector.extract_strided_slice %mul3A_17 {offsets = [0, 128], sizes = [1000, 128], strides = [1, 1]} : vector<1000x256xf32> to vector<1000x128xf32>
    %swap3A_24 = arith.constant 1 : index
    %swap3A_25 = arith.constant 0 : index
    %swap3A_26 = arith.constant 0 : index
    %swap3A_27 = vector.load %arg5[%swap3A_24, %swap3A_25, %swap3A_26] : memref<2x1000x128xf32, #tpu.memory_space<vmem>>, vector<1x1000x128xf32>
    %swap3A_28 = vector.shape_cast %swap3A_27 : vector<1x1000x128xf32> to vector<1000x128xf32>
    %swap3A_29 = vector.shape_cast %slice3A_23 : vector<1000x128xf32> to vector<1x1000x128xf32>
    tpu.vector_store %arg5[%swap3A_24, %swap3A_25, %swap3A_26], %swap3A_29 {strides = array<i32>} : memref<2x1000x128xf32, #tpu.memory_space<vmem>>, vector<1x1000x128xf32>,
    return
  }
  func.func @transform_0(%arg0: i32) -> (i32, i32) {
    %c0_i32 = arith.constant 0 : i32
    %c0_i32_0 = arith.constant 0 : i32
    return %arg0, %c0_i32 : i32, i32
  }
  func.func @transform_1(%arg0: i32) -> (i32, i32) {
    %c0_i32 = arith.constant 0 : i32
    %c0_i32_0 = arith.constant 0 : i32
    %c0_i32_1 = arith.constant 0 : i32
    return %c0_i32, %c0_i32_0 : i32, i32
  }
  func.func @transform_2(%arg0: i32) -> (i32, i32) {
    %c0_i32 = arith.constant 0 : i32
    %c0_i32_0 = arith.constant 0 : i32
    %c0_i32_1 = arith.constant 0 : i32
    return %c0_i32, %c0_i32_0 : i32, i32
  }
  func.func @transform_3(%arg0: i32) -> (i32, i32) {
    %c0_i32 = arith.constant 0 : i32
    %c0_i32_0 = arith.constant 0 : i32
    return %arg0, %c0_i32 : i32, i32
  }
  func.func @transform_4(%arg0: i32) -> (i32, i32, i32) {
    %c0_i32 = arith.constant 0 : i32
    %c0_i32_0 = arith.constant 0 : i32
    %c0_i32_1 = arith.constant 0 : i32
    return %c0_i32, %arg0, %c0_i32_0 : i32, i32, i32
  }
}

module attributes {stable_mosaic.version = 14 : i64} {
  func.func @_fin_body(%arg0: i32, %arg1: memref<1000x128xf32, #tpu.memory_space<vmem>>, %arg2: memref<1000x128xf32, #tpu.memory_space<vmem>>, %arg3: memref<1000x32xf32, #tpu.memory_space<vmem>>, %arg4: memref<1000x256xf32, #tpu.memory_space<vmem>>) attributes {dimension_semantics = [#tpu.dimension_semantics<arbitrary>], iteration_bounds = array<i64: 10>, scalar_prefetch = 0 : i64, scratch_operands = 0 : i64, tpu.core_type = #tpu.core_type<tc>, window_params = [{transform_indices = @transform_0, window_bounds = array<i64: 1000, 128>}, {transform_indices = @transform_1, window_bounds = array<i64: 1000, 128>}, {transform_indices = @transform_2, window_bounds = array<i64: 1000, 32>}, {transform_indices = @transform_3, window_bounds = array<i64: 1000, 256>}]} {
    %get3A = arith.constant 0 : index
    %get3A_0 = arith.constant 0 : index
    %get3A_1 = vector.load %arg3[%get3A, %get3A_0] : memref<1000x32xf32, #tpu.memory_space<vmem>>, vector<1000x32xf32>
    %reduce_sum3A = arith.constant dense<0.000000e+00> : vector<1000xf32>
    %reduce_sum3A_2 = vector.multi_reduction <add>, %get3A_1, %reduce_sum3A [1] : vector<1000x32xf32> to vector<1000xf32>
    %add3A = arith.constant 1.000000e+00 : f32
    %add3A_3 = vector.broadcast %add3A : f32 to vector<1000xf32>
    %add3A_4 = arith.addf %reduce_sum3A_2, %add3A_3 : vector<1000xf32>
    %rsqrt3A = math.rsqrt %add3A_4 : vector<1000xf32>
    %get3A_5 = arith.constant 0 : index
    %get3A_6 = arith.constant 0 : index
    %get3A_7 = vector.load %arg1[%get3A_5, %get3A_6] : memref<1000x128xf32, #tpu.memory_space<vmem>>, vector<1000x128xf32>
    %get3A_8 = arith.constant 0 : index
    %get3A_9 = arith.constant 0 : index
    %get3A_10 = vector.load %arg2[%get3A_8, %get3A_9] : memref<1000x128xf32, #tpu.memory_space<vmem>>, vector<1000x128xf32>
    %concatenate3A = tpu.concatenate %get3A_7, %get3A_10 in 1 : vector<1000x128xf32>, vector<1000x128xf32> -> vector<1000x256xf32>
    %broadcast_in_dim3A = vector.shape_cast %rsqrt3A : vector<1000xf32> to vector<1000x1xf32>
    %mul3A = vector.broadcast %broadcast_in_dim3A : vector<1000x1xf32> to vector<1000x256xf32>
    %mul3A_11 = arith.mulf %concatenate3A, %mul3A : vector<1000x256xf32>
    %max3A = arith.constant 0.000000e+00 : f32
    %max3A_12 = vector.broadcast %max3A : f32 to vector<1000x256xf32>
    %max3A_13 = arith.maximumf %mul3A_11, %max3A_12 : vector<1000x256xf32>
    %swap3A = arith.constant 0 : index
    %swap3A_14 = arith.constant 0 : index
    %swap3A_15 = vector.load %arg4[%swap3A, %swap3A_14] : memref<1000x256xf32, #tpu.memory_space<vmem>>, vector<1000x256xf32>
    tpu.vector_store %arg4[%swap3A, %swap3A_14], %max3A_13 {strides = array<i32>} : memref<1000x256xf32, #tpu.memory_space<vmem>>, vector<1000x256xf32>,
    return
  }
  func.func @transform_0(%arg0: i32) -> (i32, i32) {
    %c0_i32 = arith.constant 0 : i32
    %c0_i32_0 = arith.constant 0 : i32
    return %arg0, %c0_i32 : i32, i32
  }
  func.func @transform_1(%arg0: i32) -> (i32, i32) {
    %add3A = arith.constant 10 : i32
    %add3A_0 = arith.addi %arg0, %add3A : i32
    %c0_i32 = arith.constant 0 : i32
    %c0_i32_1 = arith.constant 0 : i32
    return %add3A_0, %c0_i32 : i32, i32
  }
  func.func @transform_2(%arg0: i32) -> (i32, i32) {
    %c0_i32 = arith.constant 0 : i32
    %c0_i32_0 = arith.constant 0 : i32
    return %arg0, %c0_i32 : i32, i32
  }
  func.func @transform_3(%arg0: i32) -> (i32, i32) {
    %c0_i32 = arith.constant 0 : i32
    %c0_i32_0 = arith.constant 0 : i32
    return %arg0, %c0_i32 : i32, i32
  }
}

</mosaic_0001>

<sc_bundles>
// kernel: kernel.6.cloned.1.call-start
scs
__scs_entry_jumppad:
0x0: {  	(pc) =	sbr.rel $0x88, $3  }
0x1: {  	(tag) =	ssettag $0x0;
	lr =	simm.s32 $0x1  }
0x2: {  	[smem:$0x3F9D] =	sst lr;
	_ =	strace $0xD0000000  }
0x3: {  	_ = 	snop  }
0x4: {  	_ = 	snop  }
0x5: {  	_ = 	snop  }
0x6: {  	_ = 	snop  }
0x7: {  	_ = 	snop  }
__scs_overlays_trampoline_lowered:
0x8: {  	[smem:$0x3FAC] =	sst s0  }
0x9: {  	[smem:$0x3FAD] =	sst s1  }
0xa: {  	[smem:$0x3FAE] =	sst s2  }
0xb: {  	[smem:$0x3FAF] =	sst s3  }
0xc: {  	[smem:$0x3FB0] =	sst s4  }
0xd: {  	[smem:$0x3FB1] =	sst s5  }
0xe: {  	[smem:$0x3FB2] =	sst s6  }
0xf: {  	[smem:$0x3FB3] =	sst s7  }
0x10: {  	[smem:$0x3FB4] =	sst s8  }
0x11: {  	[smem:$0x3FB5] =	sst s9;
	s0 =	simm.s32 @!p0 $0x0  }
0x12: {  	s1 =	sld [smem:$0x3F9B];
	s0 =	simm.s32 @p0 $0x1  }
0x13: {  	[smem:$0x3FB6] =	sst s0;
	s0 =	simm.s32 @!p1 $0x0  }
0x14: {  	s2 =	sld [smem:$0x3F9A];
	s0 =	simm.s32 @p1 $0x1  }
0x15: {  	[smem:$0x3FB7] =	sst s0;
	s0 =	simm.s32 @!p2 $0x0  }
0x16: {  	s3 =	sld [smem:$0x3FDB];
	s0 =	simm.s32 @p2 $0x1  }
0x17: {  	s4 =	simm.s32 $0x1BF5;
	[smem:$0x3FB9] =	sst s0  }
0x18: {  	s0 =	sld [smem:$0x3F9C];
	_ =	swait.ge [sflag:s4], $0x0  }
0x19: {  	s7 =	sld [smem:$0x3F9D]  }
0x1a: {  	s8 =	sadd.s32 $0xFFFFE003, lr  }
0x1b: {  	s9 =	sadd.s32 $0xFFFFFEF7, lr;
	s5 =	simm.s32 $0xFFFFFFFF;
	p2 =	slt.u32 s8, $0xFFFFF086  }
0x1c: {  	p1 =	slt.u32 s9, $0xF7A;
	s5 =	simm.s32 @!p2 $0x0  }
0x1d: {  	s5 =	simm.s32 @p1 $0x1;
	p0 =	seq.s32 s7, s2  }
0x1e: {  	s7 =	smul.u32 @!p0 $0xF7A, s2;
	p2 =	seq.s32 @!p0 s5, $0x0  }
0x1f: {  	s9 =	smul.u32 $0xF7A, s1;
	s8 =	simm.s32 @!p0 $0x1BF5;
	p2 =	por !p2, p0  }
0x20: {  	[sflag:s8] =	ssyncset.s32 @!p0 $0xFFFFF086;
	s6 =	sadd.s32 @!p0 s3, s7;
	s7 =	simm.s32 @!p0 $0x108  }
0x21: {  	s3 =	sadd.s32 s3, s9;
	s6 =	sadd.s32 @!p0 $0x88, s6;
	s7 =	simm.s32 @p2 $0x1082  }
0x22: {  	[simem:s7], [sflag:s8] =	dma.local @!p0 [hbm:s6], $0xF7A  }
0x23: {  	s9 =	sor.u32 $0xD0000000, s2;
	s6 =	simm.s32 $0x108;
	_ =	swait.ge @!p0 [sflag:s8], $0x0  }
0x24: {  	s3 =	sadd.s32 $0x88, s3;
	s6 =	simm.s32 @!p1 $0x1082;
	[sflag:s4] =	ssyncset.s32 $0xFFFFF086  }
0x25: {  	[simem:s6], [sflag:s4] =	dma.local [hbm:s3], $0xF7A  }
0x26: {  	[smem:$0x3F9D] =	sst s1;
	(tag) =	ssettag s2;
	_ =	strace s9  }
0x27: {  	s1 =	sld [smem:$0x3FAD]  }
0x28: {  	s2 =	sld [smem:$0x3FAE]  }
0x29: {  	s4 =	sld [smem:$0x3FB0]  }
0x2a: {  	p0 =	seq.s32 s5, $0x0;
	s5 =	sld [smem:$0x3FB1]  }
0x2b: {  	s6 =	sld [smem:$0x3FB2]  }
0x2c: {  	s7 =	sld [smem:$0x3FB3]  }
0x2d: {  	s3 =	simm.s32 $0x108;
	s8 =	sld [smem:$0x3FB4]  }
0x2e: {  	s3 =	simm.s32 @!p0 $0x1082;
	s9 =	sld [smem:$0x3FB5]  }
0x2f: {  	lr =	sadd.s32 s0, s3;
	s0 =	sld [smem:$0x3FAC]  }
0x30: {  	s3 =	sld [smem:$0x3FAF]  }
0x31: {  	[smem:$0x3FB8] =	sst s10  }
0x32: {  	s10 =	sld [smem:$0x3FB6];
	_ =	sdelay $0x3  }
0x33: {  	p0 =	seq.s32 s10, $0x1;
	s10 =	sld [smem:$0x3FB8];
	_ =	sdelay $0x3  }
0x34: {  	[smem:$0x3FB8] =	sst s10  }
0x35: {  	s10 =	sld [smem:$0x3FB7];
	_ =	sdelay $0x3  }
0x36: {  	p1 =	seq.s32 s10, $0x1;
	s10 =	sld [smem:$0x3FB8];
	_ =	sdelay $0x3  }
0x37: {  	[smem:$0x3FB8] =	sst s10  }
0x38: {  	s10 =	sld [smem:$0x3FB9]  }
0x39: {  	_ = 	snop;
	(pc) =	sbr.ind lr, $3  }
0x3a: {  	_ = 	snop  }
0x3b: {  	_ = 	snop  }
0x3c: {  	p2 =	seq.s32 s10, $0x1;
	s10 =	sld [smem:$0x3FB8]  }
0x3d: {  	_ =	shalt  }
0x3e: {  	_ =	shalt  }
0x3f: {  	_ =	shalt  }
0x40: {  	_ =	shalt  }
0x41: {  	_ =	shalt  }
0x42: {  	_ =	shalt  }
0x43: {  	_ =	shalt  }
0x44: {  	_ =	shalt  }
0x45: {  	_ =	shalt  }
0x46: {  	_ =	shalt  }
0x47: {  	_ =	shalt  }
0x48: {  	_ =	shalt  }
0x49: {  	_ =	shalt  }
0x4a: {  	_ =	shalt  }
0x4b: {  	_ =	shalt  }
0x4c: {  	_ =	shalt  }
0x4d: {  	_ =	shalt  }
0x4e: {  	_ =	shalt  }
0x4f: {  	_ =	shalt  }
0x50: {  	_ =	shalt  }
0x51: {  	_ =	shalt  }
0x52: {  	_ =	shalt  }
0x53: {  	_ =	shalt  }
0x54: {  	_ =	shalt  }
0x55: {  	_ =	shalt  }
0x56: {  	_ =	shalt  }
0x57: {  	_ =	shalt  }
0x58: {  	_ =	shalt  }
0x59: {  	_ =	shalt  }
0x5a: {  	_ =	shalt  }
0x5b: {  	_ =	shalt  }
0x5c: {  	_ =	shalt  }
0x5d: {  	_ =	shalt  }
0x5e: {  	_ =	shalt  }
0x5f: {  	_ =	shalt  }
0x60: {  	_ =	shalt  }
0x61: {  	_ =	shalt  }
0x62: {  	_ =	shalt  }
0x63: {  	_ =	shalt  }
0x64: {  	_ =	shalt  }
0x65: {  	_ =	shalt  }
0x66: {  	_ =	shalt  }
0x67: {  	_ =	shalt  }
0x68: {  	_ =	shalt  }
0x69: {  	_ =	shalt  }
0x6a: {  	_ =	shalt  }
0x6b: {  	_ =	shalt  }
0x6c: {  	_ =	shalt  }
0x6d: {  	_ =	shalt  }
0x6e: {  	_ =	shalt  }
0x6f: {  	_ =	shalt  }
0x70: {  	_ =	shalt  }
0x71: {  	_ =	shalt  }
0x72: {  	_ =	shalt  }
0x73: {  	_ =	shalt  }
0x74: {  	_ =	shalt  }
0x75: {  	_ =	shalt  }
0x76: {  	_ =	shalt  }
0x77: {  	_ =	shalt  }
0x78: {  	_ =	shalt  }
0x79: {  	_ =	shalt  }
0x7a: {  	_ =	shalt  }
0x7b: {  	_ =	shalt  }
0x7c: {  	_ =	shalt  }
0x7d: {  	_ =	shalt  }
0x7e: {  	_ =	shalt  }
0x7f: {  	_ =	shalt  }
0x80: {  	_ =	shalt  }
0x81: {  	_ =	shalt  }
0x82: {  	_ =	shalt  }
0x83: {  	_ =	shalt  }
0x84: {  	_ =	shalt  }
0x85: {  	_ =	shalt  }
0x86: {  	_ =	shalt  }
0x87: {  	_ =	shalt  }
.Lfunc_end0:
.L_simem_size_0:
called_computation_lowered:
.L_overlay_start_0:
0x88: {  	s2 =	sld [smem:$0x3FD9]  }
0x89: {  	s3 =	sld [smem:$0x3FFE];
	_ =	sdelay $0x1  }
0x8a: {  	s1 =	srdreg.scid  }
0x8b: {  	s0 =	sand.u32 $0x1, s1  }
0x8c: {  	s17 =	sshll.u32 s0, $0xA;
	s2 =	sadd.s32 s3, s2  }
0x8d: {  	s2 =	sadd.s32 s2, s17  }
0x8e: {  	[smem:$0x3FC4] =	sst s2  }
0x8f: {  	_ = 	snop  }
0x90: {  	s2 =	sld [smem:$0x3FD0];
	(tm) =	ssettm $0x1  }
0x91: {  	s18 =	sld [smem:$0x3FFB];
	_ =	sdelay $0x3  }
0x92: {  	_ =	strace s18  }
0x93: {  	s3 =	sld [smem:$0x3FFC];
	_ =	sdelay $0x3  }
0x94: {  	_ =	strace s3  }
0x95: {  	s3 =	sld [smem:$0x3FFD];
	_ =	sdelay $0x3  }
0x96: {  	_ =	strace s3  }
0x97: {  	_ =	strace $0x8FFFFFFF  }
0x98: {  	s19 =	sld [smem:$0x3FDB];
	_ =	sdelay $0x1  }
0x99: {  	s4 =	simm.s32 $_scs_section_size  }
0x9a: {  	s5 =	simm.s32 $_size__tile_overlayer_lowered;
	s6 =	simm.s32 $_tile_overlayer_lowered  }
0x9b: {  	s22 =	simm.s32 $0x1BFF;
	s21 =	sshll.u32 s6, $0x1;
	s3 =	sadd.s32 s4, s19  }
0x9c: {  	s7 =	simm.s32 $0x0;
	s20 =	sshll.u32 s5, $0x1;
	s5 =	sadd.s32 s21, s3  }
0x9d: {  	[timem:s7], [sflag:s22] =	dma.local [hbm:s5], s20  }
0x9e: {  	_ =	swait.ge [sflag:s22], s20  }
0x9f: {  	s4 =	ssub.s32 $0x0, s20;
	[sflag:s22] =	ssyncset.done $0x0  }
0xa0: {  	[sflag:s22] =	ssyncadd.s32 s4;
	_ =	sdelay $0x1  }
0xa1: {  	s23 =	simm.s32 $0x1B8B  }
0xa2: {  	_ =	swait.ge [sflag:s23], $0x1  }
0xa3: {  	[sflag:s23] =	ssyncset.done $0x0  }
0xa4: {  	s25 =	simm.s32 $0x1B8E;
	s24 =	sld [smem:$0x3FFE];
	[sflag:s23] =	ssyncadd.s32 $0xFFFFFFFF  }
0xa5: {  	s26 =	simm.s32 $execute0_lowered;
	[smem:$0x3FD2] =	sst s25  }
0xa6: {  	s5 =	sshll.u32 s26, $0x1;
	_ =	strace $0x80000046;
	[dreg:$0x1] =	wrdreg $0xFFFFFFFF  }
0xa7: {  	s28 =	simm.s32 $_size_execute0_lowered;
	s3 =	sadd.s32 s3, s5;
	[dreg:$0x0] =	wrdreg $0x0  }
0xa8: {  	s5 =	sshll.u32 s28, $0x1;
	[dreg:$0x2] =	wrdreg s3  }
0xa9: {  	[dreg:$0x3] =	wrdreg s5  }
0xaa: {  	[dreg:$0x4] =	wrdreg $0xC0  }
0xab: {  	_ =	task [dreg:s7], $0x5FFFF  }
0xac: {  	[dreg:$0x1] =	wrdreg $0xFFFFFFFF  }
0xad: {  	[dreg:$0x0] =	wrdreg $0x60  }
0xae: {  	[dreg:$0x2] =	wrdreg s24  }
0xaf: {  	[dreg:$0x3] =	wrdreg s2  }
0xb0: {  	[dreg:$0x4] =	wrdreg $0x9  }
0xb1: {  	_ =	task.clear_ibuf [dreg:s7], $0x5FFFF;
	_ =	strace $0x90000046  }
0xb2: {  	s29 =	simm.s32 $0x9;
	_ =	strace $0x80000048  }
0xb3: {  	_ =	swait.ge [sflag:s29], $0x1  }
0xb4: {  	[sflag:s29] =	ssyncadd.s32 $0xFFFFFFFF  }
0xb5: {  	_ =	strace $0x90000048  }
0xb6: {  	_ =	sfence  }
0xb7: {  	s30 =	sld [smem:$0x0];
	_ =	sdelay $0x2  }
0xb8: {  	s31 =	sshll.u32 s1, $0xD;
	s1 =	sshrl.u32 s1, $0x2  }
0xb9: {  	s3 =	sand.u32 $0x4000, s31;
	s1 =	sadd.s32 s1, s30  }
0xba: {  	s0 =	sor.u32 s3, s0;
	s1 =	sshll.u32 s1, $0x11  }
0xbb: {  	s0 =	sor.u32 s1, s0  }
0xbc: {  	s0 =	sadd.s32 $0x8F2B, s0  }
0xbd: {  	[sflag:s0] =	ssyncadd.remote.s32 $0x1  }
0xbe: {  	_ =	sfence.sel $0xFFFF  }
0xbf: {  	[dreg:$0x0] =	wrdreg $0xFFFFFFFF;
	(pc) =	sbr.abs _section_cstart, $3  }
0xc0: {  	[dreg:$0x1] =	wrdreg $0xFFFFFFFF  }
0xc1: {  	_ =	task.clear_ibuf [dreg:s7], $0x2FFFF;
	_ =	strace $0x9FFFFFFF  }
0xc2: {  	(tm) =	ssettm $0x7FFFFFFF  }
0xc3: {  	_ =	shalt  }
tec
execute0_lowered:
.L_overlay_start_1:
0x0: {  	(tag) =	ssettag $0x1  }
0x1: {  	s3 =	rddreg [dreg:$0x0]  }
0x2: {  	s1 =	srdreg.scid;
	s0 =	stileid.u32  }
0x3: {  	s4 =	rddreg [dreg:$0x1];
	s5 =	sand.u32 $0x1, s1;
	s2 =	sshll.u32 s0, $0x1  }
0x4: {  	s1 =	rddreg [dreg:$0x2];
	s6 =	sor.u32 s5, s2  }
0x5: {  	s2 =	simm.s32 $0x0;
	s5 =	ssub.s32 $0x2, s5;
	s7 =	smul.u32 $0x271, s6  }
0x6: {  	[smem:$0x7FF] =	sst s2;
	s8 =	sshrl.u32 s5, $0x1;
	s6 =	smul.u32 $0x4E2, s6  }
0x7: {  	_ =	strace $0x80000047;
	s5 =	ssub.s32 s5, s8;
	s8 =	simm.s32 $0x0  }
0x8: {  	s3 =	sadd.s32 s7, s3;
	s4 =	sadd.s32 s4, s6;
	s5 =	smax.u32 s5, $0x1  }
0x9: {  	v0 =	vimm.f32 $0.0e+00;
	v1 =	vimm.f32 $1.000000000e+00;
	vm0 =	vcmask $0x3F20;
	s6 =	simm.s32 $0x1;
	s7 =	simm.s32 $0x1400;
	s3 =	sadd.s32 $0x1000, s3  }
.LBB2_1:
0xa: {  	s9 =	simm.s32 $0x40;
	s10 =	simm.s32 $0x0  }
.LBB2_2:
0xb: {  	p0 =	sne.s32 s9, $0x9C00;
	[tilespmem:s10+$0x1400] =	vst v0;
	s10 =	smov.u32 s9;
	s9 =	sadd.s32 $0x40, s9  }
.Ltmp0:
0xc: {  	(pc) =	sbr.rel @p0 .LBB2_2-.Ltmp0, $2  }
0xd: {  	_ =	sdelay $0x2  }
0xe: {  	s10 =	sshra.s32 s10, $0x2  }
0xf: {  	[tilespmem:s10+$0x1400] =	vst v0;
	s9 =	simm.s32 $0x0  }
0x10: {  	[tilespmem:s9], [sflag:$0x1] =	stream.linear.gather [hbm4b:s3+s9], $0x1388, $0x38;
	[tilespmem:$0x3B80] =	vst v63  }
0x11: {  	_ =	swait.ge [sflag:s6], $0x1388  }
0x12: {  	[sflag:s6] =	ssyncset.done $0x0  }
0x13: {  	s10 =	simm.s32 $0x0;
	s9 =	simm.s32 $0x40;
	[sflag:s6] =	ssyncadd.s32 $0xFFFFEC78  }
.LBB2_4:
0x14: {  	p0 =	sne.s32 s9, $0x4DC0;
	v2 =	vld [tilespmem:s10+$0x0];
	_ =	sdelay $0x3  }
.Ltmp1:
0x15: {  	(pc) =	sbr.rel @p0 .LBB2_4-.Ltmp1, $2  }
0x16: {  	_ =	sdelay $0x2  }
0x17: {  	s10 =	sshra.s32 s9, $0x2;
	s9 =	sadd.s32 $0x40, s9;
	[tilespmem:v2+s7+$0x0] =	vst.idx.add.f32.msk $0xffff, v1  }
0x18: {  	v2 =	vld [tilespmem:s10+$0x0];
	_ =	sdelay $0x7  }
0x19: {  	[tilespmem:v2+s7+$0x0] =	vst.idx.add.f32.msk $0xffff, v1  }
0x1a: {  	v2 =	vld [tilespmem:$0x1378];
	_ =	sdelay $0x5  }
0x1b: {  	s8 =	sadd.s32 $0x1, s8  }
0x1c: {  	p0 =	sne.s32 s8, s5  }
.Ltmp2:
0x1d: {  	[tilespmem:v2+s7+$0x0] =	vst.idx.add.f32.msk vm0, v1;
	(pc) =	sbr.rel @p0 .LBB2_1-.Ltmp2, $4  }
0x1e: {  	[hbm4b:s4+s2] =	stream.linear.scatter [tilespmem:s7], [sflag:$0x1], $0x2710, $0x38;
	[tilespmem:$0x3B80] =	vst v63  }
0x1f: {  	_ =	swait.ge [sflag:s6], $0x2710  }
0x20: {  	[sflag:s6] =	ssyncset.done $0x0  }
0x21: {  	[sflag:s6] =	ssyncadd.s32 $0xFFFFD8F0  }
0x22: {  	_ =	sfence.sel $0x180000  }
0x23: {  	[bflag:$0x0] =	sbarrier.arrive $0xFFFF  }
0x24: {  	p0 =	sne.s32 s0, $0x0;
	_ =	strace $0x90000047  }
0x25: {  	s0 =	sadd.s32 @!p0 $0x100000, s1;
	[bflag:$0x2] =	sbarrier.arrive $0xFFFF  }
0x26: {  	[sflag:s0] =	ssyncadd.tile.s32 @!p0 $0x1;
	_ =	shalt  }
.Lfunc_end2:
_tile_overlayer_lowered:
.L_overlay_start_2:
0x27: {  	(tag) =	ssettag $0x2  }
0x28: {  	s0 =	rddreg [dreg:$0x0];
	s2 =	stileid.u32  }
0x29: {  	s1 =	rddreg [dreg:$0x1];
	p0 =	sne.s32 s2, $0x0  }
0x2a: {  	s3 =	rddreg [dreg:$0x2];
	[bflag:$0x3] =	sbarrier.arrive $0xFFFF;
	s2 =	simm.s32 @!p0 $0x1C01  }
0x2b: {  	[timem:s3], [sflag:s2] =	dma.local @!p0 [hbm:s0], s1  }
0x2c: {  	s0 =	simm.s32 @!p0 $0x1  }
0x2d: {  	_ =	swait.ge @!p0 [sflag:s0], s1  }
0x2e: {  	s1 =	ssub.s32 @!p0 $0x0, s1;
	[sflag:s0] =	ssyncset.done @!p0 $0x0  }
0x2f: {  	[sflag:s0] =	ssyncadd.s32 @!p0 s1  }
0x30: {  	[bflag:$0x3] =	sbarrier.arrive $0xFFFF  }
0x31: {  	_ =	shalt  }

// kernel: kernel.9.cloned.1.call-start
scs
__scs_entry_jumppad:
0x0: {  	(pc) =	sbr.rel $0x88, $3  }
0x1: {  	(tag) =	ssettag $0x0;
	lr =	simm.s32 $0x1  }
0x2: {  	[smem:$0x3F9D] =	sst lr;
	_ =	strace $0xD0000000  }
0x3: {  	_ = 	snop  }
0x4: {  	_ = 	snop  }
0x5: {  	_ = 	snop  }
0x6: {  	_ = 	snop  }
0x7: {  	_ = 	snop  }
__scs_overlays_trampoline_lowered:
0x8: {  	[smem:$0x3FAC] =	sst s0  }
0x9: {  	[smem:$0x3FAD] =	sst s1  }
0xa: {  	[smem:$0x3FAE] =	sst s2  }
0xb: {  	[smem:$0x3FAF] =	sst s3  }
0xc: {  	[smem:$0x3FB0] =	sst s4  }
0xd: {  	[smem:$0x3FB1] =	sst s5  }
0xe: {  	[smem:$0x3FB2] =	sst s6  }
0xf: {  	[smem:$0x3FB3] =	sst s7  }
0x10: {  	[smem:$0x3FB4] =	sst s8  }
0x11: {  	[smem:$0x3FB5] =	sst s9;
	s0 =	simm.s32 @!p0 $0x0  }
0x12: {  	s1 =	sld [smem:$0x3F9B];
	s0 =	simm.s32 @p0 $0x1  }
0x13: {  	[smem:$0x3FB6] =	sst s0;
	s0 =	simm.s32 @!p1 $0x0  }
0x14: {  	s2 =	sld [smem:$0x3F9A];
	s0 =	simm.s32 @p1 $0x1  }
0x15: {  	[smem:$0x3FB7] =	sst s0;
	s0 =	simm.s32 @!p2 $0x0  }
0x16: {  	s3 =	sld [smem:$0x3FDB];
	s0 =	simm.s32 @p2 $0x1  }
0x17: {  	s4 =	simm.s32 $0x1BF5;
	[smem:$0x3FB9] =	sst s0  }
0x18: {  	s0 =	sld [smem:$0x3F9C];
	_ =	swait.ge [sflag:s4], $0x0  }
0x19: {  	s7 =	sld [smem:$0x3F9D]  }
0x1a: {  	s8 =	sadd.s32 $0xFFFFE003, lr  }
0x1b: {  	s9 =	sadd.s32 $0xFFFFFEF7, lr;
	s5 =	simm.s32 $0xFFFFFFFF;
	p2 =	slt.u32 s8, $0xFFFFF086  }
0x1c: {  	p1 =	slt.u32 s9, $0xF7A;
	s5 =	simm.s32 @!p2 $0x0  }
0x1d: {  	s5 =	simm.s32 @p1 $0x1;
	p0 =	seq.s32 s7, s2  }
0x1e: {  	s7 =	smul.u32 @!p0 $0xF7A, s2;
	p2 =	seq.s32 @!p0 s5, $0x0  }
0x1f: {  	s9 =	smul.u32 $0xF7A, s1;
	s8 =	simm.s32 @!p0 $0x1BF5;
	p2 =	por !p2, p0  }
0x20: {  	[sflag:s8] =	ssyncset.s32 @!p0 $0xFFFFF086;
	s6 =	sadd.s32 @!p0 s3, s7;
	s7 =	simm.s32 @!p0 $0x108  }
0x21: {  	s3 =	sadd.s32 s3, s9;
	s6 =	sadd.s32 @!p0 $0x88, s6;
	s7 =	simm.s32 @p2 $0x1082  }
0x22: {  	[simem:s7], [sflag:s8] =	dma.local @!p0 [hbm:s6], $0xF7A  }
0x23: {  	s9 =	sor.u32 $0xD0000000, s2;
	s6 =	simm.s32 $0x108;
	_ =	swait.ge @!p0 [sflag:s8], $0x0  }
0x24: {  	s3 =	sadd.s32 $0x88, s3;
	s6 =	simm.s32 @!p1 $0x1082;
	[sflag:s4] =	ssyncset.s32 $0xFFFFF086  }
0x25: {  	[simem:s6], [sflag:s4] =	dma.local [hbm:s3], $0xF7A  }
0x26: {  	[smem:$0x3F9D] =	sst s1;
	(tag) =	ssettag s2;
	_ =	strace s9  }
0x27: {  	s1 =	sld [smem:$0x3FAD]  }
0x28: {  	s2 =	sld [smem:$0x3FAE]  }
0x29: {  	s4 =	sld [smem:$0x3FB0]  }
0x2a: {  	p0 =	seq.s32 s5, $0x0;
	s5 =	sld [smem:$0x3FB1]  }
0x2b: {  	s6 =	sld [smem:$0x3FB2]  }
0x2c: {  	s7 =	sld [smem:$0x3FB3]  }
0x2d: {  	s3 =	simm.s32 $0x108;
	s8 =	sld [smem:$0x3FB4]  }
0x2e: {  	s3 =	simm.s32 @!p0 $0x1082;
	s9 =	sld [smem:$0x3FB5]  }
0x2f: {  	lr =	sadd.s32 s0, s3;
	s0 =	sld [smem:$0x3FAC]  }
0x30: {  	s3 =	sld [smem:$0x3FAF]  }
0x31: {  	[smem:$0x3FB8] =	sst s10  }
0x32: {  	s10 =	sld [smem:$0x3FB6];
	_ =	sdelay $0x3  }
0x33: {  	p0 =	seq.s32 s10, $0x1;
	s10 =	sld [smem:$0x3FB8];
	_ =	sdelay $0x3  }
0x34: {  	[smem:$0x3FB8] =	sst s10  }
0x35: {  	s10 =	sld [smem:$0x3FB7];
	_ =	sdelay $0x3  }
0x36: {  	p1 =	seq.s32 s10, $0x1;
	s10 =	sld [smem:$0x3FB8];
	_ =	sdelay $0x3  }
0x37: {  	[smem:$0x3FB8] =	sst s10  }
0x38: {  	s10 =	sld [smem:$0x3FB9]  }
0x39: {  	_ = 	snop;
	(pc) =	sbr.ind lr, $3  }
0x3a: {  	_ = 	snop  }
0x3b: {  	_ = 	snop  }
0x3c: {  	p2 =	seq.s32 s10, $0x1;
	s10 =	sld [smem:$0x3FB8]  }
0x3d: {  	_ =	shalt  }
0x3e: {  	_ =	shalt  }
0x3f: {  	_ =	shalt  }
0x40: {  	_ =	shalt  }
0x41: {  	_ =	shalt  }
0x42: {  	_ =	shalt  }
0x43: {  	_ =	shalt  }
0x44: {  	_ =	shalt  }
0x45: {  	_ =	shalt  }
0x46: {  	_ =	shalt  }
0x47: {  	_ =	shalt  }
0x48: {  	_ =	shalt  }
0x49: {  	_ =	shalt  }
0x4a: {  	_ =	shalt  }
0x4b: {  	_ =	shalt  }
0x4c: {  	_ =	shalt  }
0x4d: {  	_ =	shalt  }
0x4e: {  	_ =	shalt  }
0x4f: {  	_ =	shalt  }
0x50: {  	_ =	shalt  }
0x51: {  	_ =	shalt  }
0x52: {  	_ =	shalt  }
0x53: {  	_ =	shalt  }
0x54: {  	_ =	shalt  }
0x55: {  	_ =	shalt  }
0x56: {  	_ =	shalt  }
0x57: {  	_ =	shalt  }
0x58: {  	_ =	shalt  }
0x59: {  	_ =	shalt  }
0x5a: {  	_ =	shalt  }
0x5b: {  	_ =	shalt  }
0x5c: {  	_ =	shalt  }
0x5d: {  	_ =	shalt  }
0x5e: {  	_ =	shalt  }
0x5f: {  	_ =	shalt  }
0x60: {  	_ =	shalt  }
0x61: {  	_ =	shalt  }
0x62: {  	_ =	shalt  }
0x63: {  	_ =	shalt  }
0x64: {  	_ =	shalt  }
0x65: {  	_ =	shalt  }
0x66: {  	_ =	shalt  }
0x67: {  	_ =	shalt  }
0x68: {  	_ =	shalt  }
0x69: {  	_ =	shalt  }
0x6a: {  	_ =	shalt  }
0x6b: {  	_ =	shalt  }
0x6c: {  	_ =	shalt  }
0x6d: {  	_ =	shalt  }
0x6e: {  	_ =	shalt  }
0x6f: {  	_ =	shalt  }
0x70: {  	_ =	shalt  }
0x71: {  	_ =	shalt  }
0x72: {  	_ =	shalt  }
0x73: {  	_ =	shalt  }
0x74: {  	_ =	shalt  }
0x75: {  	_ =	shalt  }
0x76: {  	_ =	shalt  }
0x77: {  	_ =	shalt  }
0x78: {  	_ =	shalt  }
0x79: {  	_ =	shalt  }
0x7a: {  	_ =	shalt  }
0x7b: {  	_ =	shalt  }
0x7c: {  	_ =	shalt  }
0x7d: {  	_ =	shalt  }
0x7e: {  	_ =	shalt  }
0x7f: {  	_ =	shalt  }
0x80: {  	_ =	shalt  }
0x81: {  	_ =	shalt  }
0x82: {  	_ =	shalt  }
0x83: {  	_ =	shalt  }
0x84: {  	_ =	shalt  }
0x85: {  	_ =	shalt  }
0x86: {  	_ =	shalt  }
0x87: {  	_ =	shalt  }
.Lfunc_end0:
.L_simem_size_0:
called_computation.1_lowered:
.L_overlay_start_0:
0x88: {  	s2 =	sld [smem:$0x3FD9]  }
0x89: {  	s3 =	sld [smem:$0x3FFE];
	_ =	sdelay $0x1  }
0x8a: {  	s1 =	srdreg.scid  }
0x8b: {  	s0 =	sand.u32 $0x1, s1  }
0x8c: {  	s17 =	sshll.u32 s0, $0xA;
	s2 =	sadd.s32 s3, s2  }
0x8d: {  	s2 =	sadd.s32 s2, s17  }
0x8e: {  	[smem:$0x3FC4] =	sst s2  }
0x8f: {  	_ = 	snop  }
0x90: {  	s2 =	sld [smem:$0x3FD0];
	(tm) =	ssettm $0x1  }
0x91: {  	s18 =	sld [smem:$0x3FFB];
	_ =	sdelay $0x3  }
0x92: {  	_ =	strace s18  }
0x93: {  	s3 =	sld [smem:$0x3FFC];
	_ =	sdelay $0x3  }
0x94: {  	_ =	strace s3  }
0x95: {  	s3 =	sld [smem:$0x3FFD];
	_ =	sdelay $0x3  }
0x96: {  	_ =	strace s3  }
0x97: {  	_ =	strace $0x8FFFFFFF  }
0x98: {  	s19 =	sld [smem:$0x3FDB];
	_ =	sdelay $0x1  }
0x99: {  	s4 =	simm.s32 $_scs_section_size  }
0x9a: {  	s5 =	simm.s32 $_size__tile_overlayer_lowered;
	s6 =	simm.s32 $_tile_overlayer_lowered  }
0x9b: {  	s22 =	simm.s32 $0x1BFF;
	s21 =	sshll.u32 s6, $0x1;
	s3 =	sadd.s32 s4, s19  }
0x9c: {  	s7 =	simm.s32 $0x0;
	s20 =	sshll.u32 s5, $0x1;
	s5 =	sadd.s32 s21, s3  }
0x9d: {  	[timem:s7], [sflag:s22] =	dma.local [hbm:s5], s20  }
0x9e: {  	_ =	swait.ge [sflag:s22], s20  }
0x9f: {  	s4 =	ssub.s32 $0x0, s20;
	[sflag:s22] =	ssyncset.done $0x0  }
0xa0: {  	[sflag:s22] =	ssyncadd.s32 s4;
	_ =	sdelay $0x1  }
0xa1: {  	s23 =	simm.s32 $0x1B8B  }
0xa2: {  	_ =	swait.ge [sflag:s23], $0x1  }
0xa3: {  	[sflag:s23] =	ssyncset.done $0x0  }
0xa4: {  	s25 =	simm.s32 $0x1B8E;
	s24 =	sld [smem:$0x3FFE];
	[sflag:s23] =	ssyncadd.s32 $0xFFFFFFFF  }
0xa5: {  	s26 =	simm.s32 $execute0_lowered;
	[smem:$0x3FD2] =	sst s25  }
0xa6: {  	s5 =	sshll.u32 s26, $0x1;
	_ =	strace $0x80000049;
	[dreg:$0x1] =	wrdreg $0xFFFFFFFF  }
0xa7: {  	s28 =	simm.s32 $_size_execute0_lowered;
	s3 =	sadd.s32 s3, s5;
	[dreg:$0x0] =	wrdreg $0x0  }
0xa8: {  	s5 =	sshll.u32 s28, $0x1;
	[dreg:$0x2] =	wrdreg s3  }
0xa9: {  	[dreg:$0x3] =	wrdreg s5  }
0xaa: {  	[dreg:$0x4] =	wrdreg $0xC0  }
0xab: {  	_ =	task [dreg:s7], $0x5FFFF  }
0xac: {  	[dreg:$0x1] =	wrdreg $0xFFFFFFFF  }
0xad: {  	[dreg:$0x0] =	wrdreg $0x60  }
0xae: {  	[dreg:$0x2] =	wrdreg s2  }
0xaf: {  	[dreg:$0x3] =	wrdreg s24  }
0xb0: {  	[dreg:$0x4] =	wrdreg $0xC7000  }
0xb1: {  	[dreg:$0x5] =	wrdreg $0x9  }
0xb2: {  	_ =	task.clear_ibuf [dreg:s7], $0x6FFFF;
	_ =	strace $0x90000049  }
0xb3: {  	s29 =	simm.s32 $0x9;
	_ =	strace $0x8000004B  }
0xb4: {  	_ =	swait.ge [sflag:s29], $0x1  }
0xb5: {  	[sflag:s29] =	ssyncadd.s32 $0xFFFFFFFF  }
0xb6: {  	_ =	strace $0x9000004B  }
0xb7: {  	_ =	sfence  }
0xb8: {  	s30 =	sld [smem:$0x0];
	_ =	sdelay $0x2  }
0xb9: {  	s31 =	sshll.u32 s1, $0xD;
	s1 =	sshrl.u32 s1, $0x2  }
0xba: {  	s3 =	sand.u32 $0x4000, s31;
	s1 =	sadd.s32 s1, s30  }
0xbb: {  	s0 =	sor.u32 s3, s0;
	s1 =	sshll.u32 s1, $0x11  }
0xbc: {  	s0 =	sor.u32 s1, s0  }
0xbd: {  	s0 =	sadd.s32 $0x8F2B, s0  }
0xbe: {  	[sflag:s0] =	ssyncadd.remote.s32 $0x1  }
0xbf: {  	_ =	sfence.sel $0xFFFF  }
0xc0: {  	[dreg:$0x0] =	wrdreg $0xFFFFFFFF;
	(pc) =	sbr.abs _section_cstart, $3  }
0xc1: {  	[dreg:$0x1] =	wrdreg $0xFFFFFFFF  }
0xc2: {  	_ =	task.clear_ibuf [dreg:s7], $0x2FFFF;
	_ =	strace $0x9FFFFFFF  }
0xc3: {  	(tm) =	ssettm $0x7FFFFFFF  }
tec
execute0_lowered:
.L_overlay_start_1:
0x0: {  	(tag) =	ssettag $0x1  }
0x1: {  	s2 =	rddreg [dreg:$0x0]  }
0x2: {  	s5 =	rddreg [dreg:$0x1]  }
0x3: {  	s3 =	rddreg [dreg:$0x2]  }
0x4: {  	s0 =	rddreg [dreg:$0x3];
	s1 =	stileid.u32  }
0x5: {  	s4 =	simm.s32 $0x0;
	s7 =	srdreg.scid;
	s6 =	smul.u32 $0x2710, s1  }
0x6: {  	s16 =	simm.s32 $0x8;
	s17 =	simm.s32 $0x2780;
	s8 =	smul.u32 $0x4F000, s1  }
0x7: {  	s18 =	simm.s32 $0x4F00;
	s19 =	simm.s32 $0x50;
	s11 =	smul.u32 $0x2780, s1  }
0x8: {  	s21 =	simm.s32 $0x5;
	s7 =	sand.u32 $0x1, s7;
	s29 =	smul.u32 $0x278, s1  }
0x9: {  	s22 =	simm.s32 $0x0;
	[smem:$0x7FF] =	sst s4;
	s9 =	smul.u32 $0x27100, s7  }
0xa: {  	s12 =	sadd.s32 $0xAE00, s5;
	p0 =	seq.s32 s1, $0xF;
	s13 =	smul.u32 $0x138800, s7  }
0xb: {  	_ =	strace $0x8000004A;
	s23 =	ssub.s32 $0x2, s7;
	s20 =	smul.u32 $0x2710, s7  }
0xc: {  	s6 =	sshrl.u32 s6, $0x3;
	s24 =	sshrl.u32 s23, $0x1;
	s25 =	sshrl.u32 s8, $0x2  }
0xd: {  	s10 =	sadd.s32 s6, s5;
	s14 =	ssub.s32 s23, s24;
	s26 =	sadd.s32 s11, s9  }
0xe: {  	s28 =	sshrl.u32 s13, $0x3;
	s15 =	sadd.s32 s25, s3;
	s13 =	sadd.s32 $0x128400, s3  }
0xf: {  	s31 =	sadd.s32 s29, s20;
	v0 =	vmov s20;
	s20 =	simm.s32 $0x4;
	s5 =	sadd.s32 s2, s26  }
0x10: {  	s30 =	sadd.s32 $0x25080, s28;
	s7 =	sadd.s32 $0x1000, s10;
	s9 =	sshll.u32 s31, $0x4  }
0x11: {  	s8 =	sadd.s32 $0x5E20, s10;
	s11 =	smax.u32 s14, $0x1;
	s9 =	sadd.s32 s12, s9  }
0x12: {  	s10 =	sadd.s32 s12, s30;
	s12 =	sshrl.u32 @p0 s13, $0x3;
	s13 =	sshll.u32 @!p0 s1, $0x6  }
0x13: {  	s15 =	sshrl.u32 @!p0 s15, $0x3;
	s6 =	sadd.s32 s2, s30;
	s14 =	sor.u32 @!p0 $0x1C07, s13  }
.LBB2_1:
0x14: {  	s23 =	simm.s32 @p0 $0x1FC7  }
0x15: {  	[spmem:s12], [sflag:s23] =	dma.local @p0 [hbm:s6], $0x2080  }
0x16: {  	[spmem:s15], [sflag:s14] =	dma.local @!p0 [hbm:s5], $0x2780  }
0x17: {  	[tilespmem:s4], [sflag:$0x8] =	stream.linear.gather [hbm4b:s7+s4], $0x2710, $0x38;
	[tilespmem:$0x1FF80] =	vst v63  }
0x18: {  	_ =	swait.ge [sflag:s16], $0x2710  }
0x19: {  	[sflag:s16] =	ssyncset.done $0x0  }
0x1a: {  	[sflag:s16] =	ssyncadd.s32 $0xFFFFD8F0  }
0x1b: {  	[tilespmem:s17], [sflag:$0x8] =	stream.linear.gather [hbm4b:s8+s4], $0x2710, $0x38;
	[tilespmem:$0x1FF80] =	vst v63  }
0x1c: {  	_ =	swait.ge [sflag:s16], $0x2710  }
0x1d: {  	[sflag:s16] =	ssyncset.done $0x0  }
0x1e: {  	s24 =	simm.s32 $0x40;
	s23 =	simm.s32 $0x0;
	[sflag:s16] =	ssyncadd.s32 $0xFFFFD8F0  }
.LBB2_2:
0x1f: {  	p1 =	sne.s32 s24, $0x9C00;
	v1 =	vld [tilespmem:s23+$0x0];
	_ =	sdelay $0x1  }
.Ltmp0:
0x20: {  	(pc) =	sbr.rel @p1 .LBB2_2-.Ltmp0, $3  }
0x21: {  	_ =	sdelay $0x1  }
0x22: {  	v1 =	vadd.s32 v0, v1  }
0x23: {  	[tilespmem:s23+$0x0] =	vst v1;
	s23 =	sshra.s32 s24, $0x2;
	s24 =	sadd.s32 $0x40, s24  }
0x24: {  	v1 =	vld [tilespmem:s23+$0x0];
	_ =	sdelay $0x4  }
0x25: {  	v1 =	vadd.s32 v0, v1  }
0x26: {  	[tilespmem:s23+$0x0] =	vst v1;
	s23 =	simm.s32 @p0 $0x7  }
0x27: {  	_ =	swait.ge @p0 [sflag:s23], $0x2080  }
0x28: {  	[sflag:s23] =	ssyncset.done @p0 $0x0  }
0x29: {  	[sflag:s23] =	ssyncadd.s32 @p0 $0xFFFFDF80;
	s23 =	simm.s32 @!p0 $0x7  }
0x2a: {  	_ =	swait.ge @!p0 [sflag:s23], $0x2780  }
0x2b: {  	[sflag:s23] =	ssyncset.done @!p0 $0x0  }
0x2c: {  	s26 =	simm.s32 $0x0;
	[sflag:s23] =	ssyncadd.s32 @!p0 $0xFFFFD880  }
0x2d: {  	s24 =	simm.s32 $0x2780;
	s23 =	simm.s32 $0x50;
	[bflag:$0x0] =	sbarrier.arrive $0xFFFF  }
0x2e: {  	[tilespmem:s18], [sflag:$0x1] =	stream.indirect.gather [hbm4b:s2+s23], $0x80, s26, s23, $0xb8;
	[tilespmem:$0x1FF80] =	vst v63  }
.LBB2_4:
0x2f: {  	s28 =	smul.u32 $0xAB, s26;
	_ =	sdelay $0x1  }
0x30: {  	s25 =	sadd.s32 $0xAB, s28  }
0x31: {  	s25 =	sshrl.u32 s25, $0x9  }
0x32: {  	s25 =	sand.u32 $0x7F, s25  }
0x33: {  	s29 =	smul.u32 $0x3, s25  }
0x34: {  	s25 =	sadd.s32 $0x1, s26  }
0x35: {  	s29 =	ssub.s32 s25, s29  }
0x36: {  	p1 =	slt.u32 s26, $0x2;
	s29 =	sand.u32 $0xFF, s29  }
0x37: {  	s30 =	sadd.s32 @!p1 $0x4, s29  }
0x38: {  	p2 =	seq.s32 @!p1 s26, $0x7C;
	_ =	swait.ge @!p1 [sflag:s30], $0x2800  }
0x39: {  	p2 =	por p1, !p2;
	[sflag:s30] =	ssyncset.done @!p1 $0x0  }
0x3a: {  	[sflag:s30] =	ssyncadd.s32 @!p1 $0xFFFFD800;
	s30 =	smul.u32 @p2 $0xA000, s29  }
0x3b: {  	s28 =	sshrl.u32 s28, $0x9  }
0x3c: {  	s28 =	sand.u32 $0x7F, s28;
	s30 =	sshrl.u32 @p2 s30, $0x2  }
0x3d: {  	s28 =	smul.u32 $0x3, s28;
	s29 =	sadd.s32 @p2 $0x1, s29;
	s30 =	sadd.s32 @p2 $0x4F00, s30  }
0x3e: {  	[tilespmem:s30], [sflag:s29] =	stream.indirect.gather @p2 [hbm4b:s2+s19], $0x80, s23, s19, $0xb8;
	[tilespmem:$0x1FF80] =	vst v63  }
0x3f: {  	s30 =	ssub.s32 s26, s28  }
0x40: {  	s26 =	sand.u32 $0xFF, s30  }
0x41: {  	p1 =	sne.s32 s25, $0x7D;
	s31 =	sadd.s32 $0x1, s26;
	s30 =	smul.u32 $0xA000, s26  }
.Ltmp1:
0x42: {  	_ =	swait.ge [sflag:s31], $0x2800;
	(pc) =	sbr.rel @p1 .LBB2_4-.Ltmp1, $4  }
0x43: {  	[sflag:s31] =	ssyncset.done $0x0;
	s29 =	sshrl.u32 s30, $0x2  }
0x44: {  	s26 =	sadd.s32 $0x4, s26;
	[sflag:s31] =	ssyncadd.s32 $0xFFFFD800;
	s31 =	sadd.s32 $0x4F00, s29  }
0x45: {  	[spmem:s3] =	stream.indirect.scatter.add.f32 [tilespmem:s31], [sflag:s26], $0x80, s24, s19, $0xb8;
	[tilespmem:$0x1FF80] =	vst v63  }
0x46: {  	s23 =	sadd.s32 $0x50, s23;
	s24 =	sadd.s32 $0x50, s24;
	s26 =	smov.u32 s25  }
0x47: {  	_ =	swait.ge [sflag:s20], $0x2800  }
0x48: {  	[sflag:s20] =	ssyncset.done $0x0  }
0x49: {  	[sflag:s20] =	ssyncadd.s32 $0xFFFFD800  }
0x4a: {  	_ =	swait.ge [sflag:s21], $0x2800  }
0x4b: {  	[sflag:s21] =	ssyncset.done $0x0  }
0x4c: {  	[sflag:s21] =	ssyncadd.s32 $0xFFFFD800  }
0x4d: {  	s23 =	simm.s32 @p0 $0x1FC8;
	[bflag:$0x0] =	sbarrier.arrive $0xFFFF  }
0x4e: {  	[hbm:s10], [sflag:s23] =	dma.local @p0 [spmem:s12], $0x2080  }
0x4f: {  	s23 =	simm.s32 @p0 $0x8  }
0x50: {  	_ =	swait.ge @p0 [sflag:s23], $0x2080  }
0x51: {  	s22 =	sadd.s32 $0x1, s22;
	[sflag:s23] =	ssyncset.done @p0 $0x0  }
0x52: {  	p1 =	sne.s32 s22, s11;
	[sflag:s23] =	ssyncadd.s32 @p0 $0xFFFFDF80;
	s23 =	sor.u32 @!p0 $0x1C08, s13  }
0x53: {  	[hbm:s9], [sflag:s23] =	dma.local @!p0 [spmem:s15], $0x2780  }
.Ltmp2:
0x54: {  	_ = 	snop;
	(pc) =	sbr.rel @p1 .LBB2_1-.Ltmp2, $4  }
0x55: {  	s23 =	simm.s32 @!p0 $0x8  }
0x56: {  	_ =	swait.ge @!p0 [sflag:s23], $0x2780  }
0x57: {  	[sflag:s23] =	ssyncset.done @!p0 $0x0  }
0x58: {  	[sflag:s23] =	ssyncadd.s32 @!p0 $0xFFFFD880  }
0x59: {  	_ =	sfence.sel $0x180000  }
0x5a: {  	[bflag:$0x0] =	sbarrier.arrive $0xFFFF  }
0x5b: {  	p0 =	sne.s32 s1, $0x0;
	_ =	strace $0x9000004A  }
0x5c: {  	s0 =	sadd.s32 @!p0 $0x100000, s0;
	[bflag:$0x2] =	sbarrier.arrive $0xFFFF  }
0x5d: {  	[sflag:s0] =	ssyncadd.tile.s32 @!p0 $0x1;
	_ =	shalt  }
.Lfunc_end2:
_tile_overlayer_lowered:
.L_overlay_start_2:
0x5e: {  	(tag) =	ssettag $0x2  }
0x5f: {  	s0 =	rddreg [dreg:$0x0];
	s2 =	stileid.u32  }
0x60: {  	s1 =	rddreg [dreg:$0x1];
	p0 =	sne.s32 s2, $0x0  }
0x61: {  	s3 =	rddreg [dreg:$0x2];
	[bflag:$0x3] =	sbarrier.arrive $0xFFFF;
	s2 =	simm.s32 @!p0 $0x1C08  }
0x62: {  	[timem:s3], [sflag:s2] =	dma.local @!p0 [hbm:s0], s1  }
0x63: {  	s0 =	simm.s32 @!p0 $0x8  }
0x64: {  	_ =	swait.ge @!p0 [sflag:s0], s1  }
0x65: {  	s1 =	ssub.s32 @!p0 $0x0, s1;
	[sflag:s0] =	ssyncset.done @!p0 $0x0  }
0x66: {  	[sflag:s0] =	ssyncadd.s32 @!p0 s1  }
0x67: {  	[bflag:$0x3] =	sbarrier.arrive $0xFFFF  }
0x68: {  	_ =	shalt  }

</sc_bundles>
